<compile_context>
chip_gen: v7x
topology: tpu7x:2x2x1
jax: 0.10.2.dev20260603
libtpu: 0.0.44.dev20260713+nightly
codegen_flags: <defaults>
</compile_context>

<pallas_src>
import functools

import jax
import jax.numpy as jnp
from jax import lax
from jax.experimental import pallas as pl
from jax.experimental.pallas import tpu as pltpu
from jax.experimental.pallas import tpu_sc as plsc

NC = 2
NS = 16
NW = NC * NS
CK = 128
RB = 1000


def _mesh():
    return plsc.VectorSubcoreMesh(
        core_axis_name="c", subcore_axis_name="s", num_cores=NC, num_subcores=NS
    )



def _edge_aggregate(y, src3, dst3, n_pad):
    d = y.shape[1]
    nchunk = src3.shape[1]
    zps = n_pad // NS
    zeros = jnp.zeros((n_pad, d), jnp.float32)
    ib = nchunk // 2

    @functools.partial(
        pl.kernel,
        mesh=_mesh(),
        out_type=jax.ShapeDtypeStruct((NC, n_pad, d), jnp.float32),
        scratch_types=[
            pltpu.VMEM((ib, CK), jnp.int32),
            pltpu.VMEM((ib, CK), jnp.int32),
            pltpu.VMEM((CK, d), jnp.float32),
            pltpu.VMEM((CK, d), jnp.float32),
            pltpu.VMEM_SHARED((n_pad, d), jnp.float32),
            pltpu.SemaphoreType.DMA,
            pltpu.SemaphoreType.DMA,
        ],
    )
    def scat_k(y_hbm, src_hbm, dst_hbm, zeros_hbm, out_hbm,
               si_v, di_v, r_a, r_b, acc, sem_a, sem_b):
        c = lax.axis_index("c")
        s = lax.axis_index("s")
        wid = s * NC + c
        pltpu.sync_copy(zeros_hbm.at[pl.ds(s * zps, zps)], acc.at[pl.ds(s * zps, zps)])
        plsc.subcore_barrier()

        def fire(k, rbuf, sem):
            pltpu.async_copy(y_hbm.at[si_v.at[k]], rbuf, sem)

        def drain(rbuf, sem):
            pltpu.make_async_copy(y_hbm.at[si_v.at[0]], rbuf, sem).wait()

        def scat(k, rbuf):
            pltpu.sync_copy(rbuf, acc.at[di_v.at[k]], add=True)

        for g in range(nchunk // ib):
            pltpu.sync_copy(src_hbm.at[wid, pl.ds(g * ib, ib)], si_v)
            pltpu.sync_copy(dst_hbm.at[wid, pl.ds(g * ib, ib)], di_v)
            fire(0, r_a, sem_a)
            fire(1, r_b, sem_b)

            def body(i, c2):
                k = 2 * i
                drain(r_a, sem_a)
                scat(k, r_a)
                fire(k + 2, r_a, sem_a)
                drain(r_b, sem_b)
                scat(k + 1, r_b)
                fire(k + 3, r_b, sem_b)
                return c2

            lax.fori_loop(0, ib // 2 - 1, body, 0)
            drain(r_a, sem_a)
            scat(ib - 2, r_a)
            drain(r_b, sem_b)
            scat(ib - 1, r_b)

        plsc.subcore_barrier()
        pltpu.sync_copy(acc.at[pl.ds(s * zps, zps)], out_hbm.at[c, pl.ds(s * zps, zps)])

    return scat_k(y, src3, dst3, zeros)


def _deg_aggregate(dst3, n_pad, d):
    nchunk = dst3.shape[1]
    zps = n_pad // NS
    zeros = jnp.zeros((n_pad, d), jnp.float32)
    ones = jnp.ones((CK, d), jnp.float32)
    ib = nchunk // 2

    @functools.partial(
        pl.kernel,
        mesh=_mesh(),
        out_type=jax.ShapeDtypeStruct((NC, n_pad, d), jnp.float32),
        scratch_types=[
            pltpu.VMEM((ib, CK), jnp.int32),
            pltpu.VMEM((CK, d), jnp.float32),
            pltpu.VMEM((CK, d), jnp.float32),
            pltpu.VMEM_SHARED((n_pad, d), jnp.float32),
            pltpu.SemaphoreType.DMA,
            pltpu.SemaphoreType.DMA,
        ],
    )
    def deg_k(dst_hbm, zeros_hbm, ones_hbm, out_hbm,
              di_v, r_a, r_b, acc, sem_a, sem_b):
        c = lax.axis_index("c")
        s = lax.axis_index("s")
        wid = s * NC + c
        pltpu.sync_copy(zeros_hbm.at[pl.ds(s * zps, zps)], acc.at[pl.ds(s * zps, zps)])
        pltpu.sync_copy(ones_hbm, r_a)
        pltpu.sync_copy(ones_hbm, r_b)
        plsc.subcore_barrier()

        for g in range(nchunk // ib):
            pltpu.sync_copy(dst_hbm.at[wid, pl.ds(g * ib, ib)], di_v)

            def body(i, c2):
                k = 2 * i
                s_a = pltpu.async_copy(r_a, acc.at[di_v.at[k]], sem_a, add=True)
                s_b = pltpu.async_copy(r_b, acc.at[di_v.at[k + 1]], sem_b, add=True)
                s_a.wait()
                s_b.wait()
                return c2

            lax.fori_loop(0, ib // 2, body, 0)

        plsc.subcore_barrier()
        pltpu.sync_copy(acc.at[pl.ds(s * zps, zps)], out_hbm.at[c, pl.ds(s * zps, zps)])

    return deg_k(dst3, zeros, ones)



def _disb_body(dp_ref, o_ref):
    o_ref[...] = lax.rsqrt(dp_ref[0] + dp_ref[1] + 1.0)


def _disb_kernel(degp, n, d):
    return pl.pallas_call(
        _disb_body,
        grid=(n // RB,),
        in_specs=[pl.BlockSpec((NC, RB, d), lambda i: (0, i, 0))],
        out_specs=pl.BlockSpec((RB, d), lambda i: (i, 0)),
        out_shape=jax.ShapeDtypeStruct((n, d), jnp.float32),
    )(degp)


def _matmul(a_ref, w_ref):
    return lax.dot_general(
        a_ref, w_ref, (((1,), (0,)), ((), ())),
        precision=lax.Precision.HIGHEST, preferred_element_type=jnp.float32,
    )


def _y1_body(x_ref, w_ref, d_ref, o_ref):
    o_ref[...] = _matmul(x_ref[...], w_ref[...]) * d_ref[...]


def _y1_kernel(x, W1, disb):
    n, d = x.shape
    return pl.pallas_call(
        _y1_body,
        grid=(n // RB,),
        in_specs=[
            pl.BlockSpec((RB, d), lambda i: (i, 0)),
            pl.BlockSpec((d, d), lambda i: (0, 0)),
            pl.BlockSpec((RB, d), lambda i: (i, 0)),
        ],
        out_specs=pl.BlockSpec((RB, d), lambda i: (i, 0)),
        out_shape=jax.ShapeDtypeStruct((n, d), jnp.float32),
    )(x, W1, disb)


def _y2_body(a_ref, y1_ref, d_ref, b_ref, w_ref, o_ref):
    h = d_ref[...] * (a_ref[0] + a_ref[1] + y1_ref[...]) + b_ref[...]
    h = jnp.maximum(h, 0.0)
    o_ref[...] = _matmul(h, w_ref[...]) * d_ref[...]


def _y2_kernel(a1, y1, disb, b1, W2):
    n, d = y1.shape
    return pl.pallas_call(
        _y2_body,
        grid=(n // RB,),
        in_specs=[
            pl.BlockSpec((NC, RB, d), lambda i: (0, i, 0)),
            pl.BlockSpec((RB, d), lambda i: (i, 0)),
            pl.BlockSpec((RB, d), lambda i: (i, 0)),
            pl.BlockSpec((1, d), lambda i: (0, 0)),
            pl.BlockSpec((d, d), lambda i: (0, 0)),
        ],
        out_specs=pl.BlockSpec((RB, d), lambda i: (i, 0)),
        out_shape=jax.ShapeDtypeStruct((n, d), jnp.float32),
    )(a1, y1, disb, b1, W2)


def _out_body(a_ref, y2_ref, d_ref, b_ref, o_ref):
    o_ref[...] = d_ref[...] * (a_ref[0] + a_ref[1] + y2_ref[...]) + b_ref[...]


def _out_kernel(a2, y2, disb, b2):
    n, d = y2.shape
    return pl.pallas_call(
        _out_body,
        grid=(n // RB,),
        in_specs=[
            pl.BlockSpec((NC, RB, d), lambda i: (0, i, 0)),
            pl.BlockSpec((RB, d), lambda i: (i, 0)),
            pl.BlockSpec((RB, d), lambda i: (i, 0)),
            pl.BlockSpec((1, d), lambda i: (0, 0)),
        ],
        out_specs=pl.BlockSpec((RB, d), lambda i: (i, 0)),
        out_shape=jax.ShapeDtypeStruct((n, d), jnp.float32),
    )(a2, y2, disb, b2)



def kernel(x, edge_index, W1, b1, W2, b2):
    n, d = x.shape
    e = edge_index.shape[1]

    src = edge_index[0].astype(jnp.int32)
    dst = edge_index[1].astype(jnp.int32)

    epair = NW * CK * 2
    e_pad = ((e + epair - 1) // epair) * epair
    pad = e_pad - e
    src_p = jnp.concatenate([src, jnp.zeros((pad,), jnp.int32)])
    dst_p = jnp.concatenate([dst, jnp.full((pad,), n, jnp.int32)])
    nchunk = e_pad // NW // CK
    src3 = src_p.reshape(NW, nchunk, CK)
    dst3 = dst_p.reshape(NW, nchunk, CK)

    n_pad = ((n + 1 + 127) // 128) * 128

    degp = _deg_aggregate(dst3, n_pad, d)
    disb = _disb_kernel(degp, n, d)
    y1 = _y1_kernel(x, W1, disb)
    a1 = _edge_aggregate(y1, src3, dst3, n_pad)
    y2 = _y2_kernel(a1, y1, disb, b1.reshape(1, d), W2)
    a2 = _edge_aggregate(y2, src3, dst3, n_pad)
    return _out_kernel(a2, y2, disb, b2.reshape(1, d))

# --- scband reference (transcript-rebuilt; emitter-appended) ---
"""Pipeline reference for scband-gcnencoder-26061861552480 (READ-ONLY COPY).

The authoritative reference and input builder live on the scoring server;
editing this copy changes nothing except your own understanding.
"""

import jax, jax.numpy as jnp
import numpy as np

N_NODES = 10000
N_EDGES = 320000
D_IN = 128
D_HID = 128
D_OUT = 128


def gcn_conv(x, edge_index, W, b, n_nodes):
    # x' = D^{-1/2} (A + I) D^{-1/2} (x W) + b   (standard GCNConv semantics)
    xw = x @ W
    src = edge_index[0]
    dst = edge_index[1]
    # add self loops
    loop = jnp.arange(n_nodes, dtype=edge_index.dtype)
    src = jnp.concatenate([src, loop])
    dst = jnp.concatenate([dst, loop])
    # symmetric normalization: deg computed on dst after self loops
    deg = jnp.zeros((n_nodes,), dtype=xw.dtype).at[dst].add(1.0)
    deg_inv_sqrt = jnp.where(deg > 0, jax.lax.rsqrt(deg), 0.0)
    norm = deg_inv_sqrt[src] * deg_inv_sqrt[dst]
    # gather messages from src, scale, scatter-add to dst
    msg = xw[src] * norm[:, None]
    out = jnp.zeros_like(xw).at[dst].add(msg)
    return out + b


def setup_inputs(seed: int = 0) -> dict:
    key = jax.random.key(seed)
    k_x, k_e, k_w1, k_b1, k_w2, k_b2 = jax.random.split(key, 6)
    x = jax.random.normal(k_x, (N_NODES, D_IN), dtype=jnp.float32)
    edge_index = jax.random.randint(k_e, (2, N_EDGES), 0, N_NODES, dtype=jnp.int64)
    # Glorot-style init for GCN weights
    s1 = float(np.sqrt(6.0 / (D_IN + D_HID)))
    s2 = float(np.sqrt(6.0 / (D_HID + D_OUT)))
    W1 = jax.random.uniform(k_w1, (D_IN, D_HID), dtype=jnp.float32, minval=-s1, maxval=s1)
    b1 = jnp.zeros((D_HID,), dtype=jnp.float32)
    W2 = jax.random.uniform(k_w2, (D_HID, D_OUT), dtype=jnp.float32, minval=-s2, maxval=s2)
    b2 = jnp.zeros((D_OUT,), dtype=jnp.float32)
    return {"x": x, "edge_index": edge_index, "W1": W1, "b1": b1, "W2": W2, "b2": b2}


def reference(x, edge_index, W1, b1, W2, b2):
    n_nodes = x.shape[0]
    h = gcn_conv(x, edge_index, W1, b1, n_nodes)
    h = jax.nn.relu(h)
    # nn.Dropout(0.3) is identity at inference time
    out = gcn_conv(h, edge_index, W2, b2, n_nodes)
    return out

if __name__ == "__main__":
    import jax
    _d = setup_inputs()
    print(jax.jit(kernel)(*tuple(_d.values())))

</pallas_src>

<mosaic_0001>
#map = affine_map<(d0, d1) -> (0, 0)>
#map1 = affine_map<(d0, d1) -> (0, 0, 0)>
module attributes {stable_mosaic.version = 14 : i64} {
  func.func @scat_k(%arg0: i32, %arg1: i32, %arg2: memref<10000x128xf32, #tpu.memory_space<hbm>>, %arg3: memref<32x80x128xi32, #tpu.memory_space<hbm>>, %arg4: memref<32x80x128xi32, #tpu.memory_space<hbm>>, %arg5: memref<10112x128xf32, #tpu.memory_space<hbm>>, %arg6: memref<2x10112x128xf32, #tpu.memory_space<hbm>>, %arg7: memref<40x128xi32, #tpu.memory_space<vmem>>, %arg8: memref<40x128xi32, #tpu.memory_space<vmem>>, %arg9: memref<128x128xf32, #tpu.memory_space<vmem>>, %arg10: memref<128x128xf32, #tpu.memory_space<vmem>>, %arg11: memref<10112x128xf32, #tpu.memory_space<vmem_shared>>, %arg12: memref<!tpu.dma_semaphore, #tpu.memory_space<semaphore_mem>>, %arg13: memref<!tpu.dma_semaphore, #tpu.memory_space<semaphore_mem>>) attributes {dimension_semantics = [#tpu.dimension_semantics<core_parallel>, #tpu.dimension_semantics<subcore_parallel>], iteration_bounds = array<i64: 2, 16>, scalar_prefetch = 0 : i64, scratch_operands = 7 : i64, tpu.core_type = #tpu.core_type<sc_vector_subcore>, window_params = [{transform_indices = #map}, {transform_indices = #map1}, {transform_indices = #map1}, {transform_indices = #map}, {transform_indices = #map1}]} {
    %mul3A = arith.constant 2 : i32
    %mul3A_0 = arith.muli %arg1, %mul3A : i32
    %add3A = arith.addi %mul3A_0, %arg0 : i32
    %mul3A_1 = arith.constant 632 : i32
    %mul3A_2 = arith.muli %arg1, %mul3A_1 : i32
    %mul3A_3 = arith.constant 632 : i32
    %mul3A_4 = arith.muli %arg1, %mul3A_3 : i32
    "tpu.region"() ({
      %run_scoped3A_78 = tpu.sem_alloc : memref<!tpu.dma_semaphore, #tpu.memory_space<semaphore_mem>>
      %dma_start3A_79 = arith.constant 0 : i32
      %dma_start3A_80 = tpu.memref_slice %arg11[%mul3A_4, %dma_start3A_79] : memref<10112x128xf32, #tpu.memory_space<vmem_shared>> -> memref<632x128xf32, #tpu.memory_space<vmem_shared>>
      %dma_start3A_81 = arith.constant 0 : i32
      %dma_start3A_82 = tpu.memref_slice %arg5[%mul3A_2, %dma_start3A_81] : memref<10112x128xf32, #tpu.memory_space<hbm>> -> memref<632x128xf32, #tpu.memory_space<hbm>>
      tpu.enqueue_dma source(%dma_start3A_82 : memref<632x128xf32, #tpu.memory_space<hbm>>) target(%dma_start3A_80 : memref<632x128xf32, #tpu.memory_space<vmem_shared>>) target_semaphore(%run_scoped3A_78 : memref<!tpu.dma_semaphore, #tpu.memory_space<semaphore_mem>>)
      %dma_wait3A_83 = arith.constant 0 : i32
      %dma_wait3A_84 = tpu.memref_slice %arg11[%mul3A_4, %dma_wait3A_83] : memref<10112x128xf32, #tpu.memory_space<vmem_shared>> -> memref<632x128xf32, #tpu.memory_space<vmem_shared>>
      %dma_wait3A_85 = arith.constant 0 : i32
      %dma_wait3A_86 = tpu.memref_slice %arg5[%mul3A_2, %dma_wait3A_85] : memref<10112x128xf32, #tpu.memory_space<hbm>> -> memref<632x128xf32, #tpu.memory_space<hbm>>
      tpu.wait_dma2 semaphore(%run_scoped3A_78 : memref<!tpu.dma_semaphore, #tpu.memory_space<semaphore_mem>>) src(%dma_wait3A_86 : memref<632x128xf32, #tpu.memory_space<hbm>>) dst(%dma_wait3A_84 : memref<632x128xf32, #tpu.memory_space<vmem_shared>>)
      tpu.yield
    }) : () -> ()
    %barrier3A = arith.constant 0 : index
    tpu.barrier barrier_id(%barrier3A)
    "tpu.region"() ({
      %run_scoped3A_78 = tpu.sem_alloc : memref<!tpu.dma_semaphore, #tpu.memory_space<semaphore_mem>>
      %dma_start3A_79 = arith.constant 0 : i32
      %dma_start3A_80 = arith.constant 0 : i32
      %dma_start3A_81 = tpu.memref_slice %arg3[%add3A, %dma_start3A_79, %dma_start3A_80] : memref<32x80x128xi32, #tpu.memory_space<hbm>> -> memref<1x40x128xi32, #tpu.memory_space<hbm>>
      %dma_start3A_82 = tpu.memref_squeeze %dma_start3A_81 : memref<1x40x128xi32, #tpu.memory_space<hbm>> -> memref<40x128xi32, #tpu.memory_space<hbm>>
      %dma_start3A_83 = arith.constant 0 : i32
      %dma_start3A_84 = arith.constant 0 : i32
      %dma_start3A_85 = tpu.memref_slice %arg3[%add3A, %dma_start3A_83, %dma_start3A_84] : memref<32x80x128xi32, #tpu.memory_space<hbm>> -> memref<1x40x128xi32, #tpu.memory_space<hbm>>
      %dma_start3A_86 = tpu.memref_squeeze %dma_start3A_85 : memref<1x40x128xi32, #tpu.memory_space<hbm>> -> memref<40x128xi32, #tpu.memory_space<hbm>>
      tpu.enqueue_dma source(%dma_start3A_86 : memref<40x128xi32, #tpu.memory_space<hbm>>) target(%arg7 : memref<40x128xi32, #tpu.memory_space<vmem>>) target_semaphore(%run_scoped3A_78 : memref<!tpu.dma_semaphore, #tpu.memory_space<semaphore_mem>>)
      %dma_wait3A_87 = arith.constant 0 : i32
      %dma_wait3A_88 = arith.constant 0 : i32
      %dma_wait3A_89 = tpu.memref_slice %arg3[%add3A, %dma_wait3A_87, %dma_wait3A_88] : memref<32x80x128xi32, #tpu.memory_space<hbm>> -> memref<1x40x128xi32, #tpu.memory_space<hbm>>
      %dma_wait3A_90 = tpu.memref_squeeze %dma_wait3A_89 : memref<1x40x128xi32, #tpu.memory_space<hbm>> -> memref<40x128xi32, #tpu.memory_space<hbm>>
      %dma_wait3A_91 = arith.constant 0 : i32
      %dma_wait3A_92 = arith.constant 0 : i32
      %dma_wait3A_93 = tpu.memref_slice %arg3[%add3A, %dma_wait3A_91, %dma_wait3A_92] : memref<32x80x128xi32, #tpu.memory_space<hbm>> -> memref<1x40x128xi32, #tpu.memory_space<hbm>>
      %dma_wait3A_94 = tpu.memref_squeeze %dma_wait3A_93 : memref<1x40x128xi32, #tpu.memory_space<hbm>> -> memref<40x128xi32, #tpu.memory_space<hbm>>
      tpu.wait_dma2 semaphore(%run_scoped3A_78 : memref<!tpu.dma_semaphore, #tpu.memory_space<semaphore_mem>>) src(%dma_wait3A_94 : memref<40x128xi32, #tpu.memory_space<hbm>>) dst(%arg7 : memref<40x128xi32, #tpu.memory_space<vmem>>)
      tpu.yield
    }) : () -> ()
    "tpu.region"() ({
      %run_scoped3A_78 = tpu.sem_alloc : memref<!tpu.dma_semaphore, #tpu.memory_space<semaphore_mem>>
      %dma_start3A_79 = arith.constant 0 : i32
      %dma_start3A_80 = arith.constant 0 : i32
      %dma_start3A_81 = tpu.memref_slice %arg4[%add3A, %dma_start3A_79, %dma_start3A_80] : memref<32x80x128xi32, #tpu.memory_space<hbm>> -> memref<1x40x128xi32, #tpu.memory_space<hbm>>
      %dma_start3A_82 = tpu.memref_squeeze %dma_start3A_81 : memref<1x40x128xi32, #tpu.memory_space<hbm>> -> memref<40x128xi32, #tpu.memory_space<hbm>>
      %dma_start3A_83 = arith.constant 0 : i32
      %dma_start3A_84 = arith.constant 0 : i32
      %dma_start3A_85 = tpu.memref_slice %arg4[%add3A, %dma_start3A_83, %dma_start3A_84] : memref<32x80x128xi32, #tpu.memory_space<hbm>> -> memref<1x40x128xi32, #tpu.memory_space<hbm>>
      %dma_start3A_86 = tpu.memref_squeeze %dma_start3A_85 : memref<1x40x128xi32, #tpu.memory_space<hbm>> -> memref<40x128xi32, #tpu.memory_space<hbm>>
      tpu.enqueue_dma source(%dma_start3A_86 : memref<40x128xi32, #tpu.memory_space<hbm>>) target(%arg8 : memref<40x128xi32, #tpu.memory_space<vmem>>) target_semaphore(%run_scoped3A_78 : memref<!tpu.dma_semaphore, #tpu.memory_space<semaphore_mem>>)
      %dma_wait3A_87 = arith.constant 0 : i32
      %dma_wait3A_88 = arith.constant 0 : i32
      %dma_wait3A_89 = tpu.memref_slice %arg4[%add3A, %dma_wait3A_87, %dma_wait3A_88] : memref<32x80x128xi32, #tpu.memory_space<hbm>> -> memref<1x40x128xi32, #tpu.memory_space<hbm>>
      %dma_wait3A_90 = tpu.memref_squeeze %dma_wait3A_89 : memref<1x40x128xi32, #tpu.memory_space<hbm>> -> memref<40x128xi32, #tpu.memory_space<hbm>>
      %dma_wait3A_91 = arith.constant 0 : i32
      %dma_wait3A_92 = arith.constant 0 : i32
      %dma_wait3A_93 = tpu.memref_slice %arg4[%add3A, %dma_wait3A_91, %dma_wait3A_92] : memref<32x80x128xi32, #tpu.memory_space<hbm>> -> memref<1x40x128xi32, #tpu.memory_space<hbm>>
      %dma_wait3A_94 = tpu.memref_squeeze %dma_wait3A_93 : memref<1x40x128xi32, #tpu.memory_space<hbm>> -> memref<40x128xi32, #tpu.memory_space<hbm>>
      tpu.wait_dma2 semaphore(%run_scoped3A_78 : memref<!tpu.dma_semaphore, #tpu.memory_space<semaphore_mem>>) src(%dma_wait3A_94 : memref<40x128xi32, #tpu.memory_space<hbm>>) dst(%arg8 : memref<40x128xi32, #tpu.memory_space<vmem>>)
      tpu.yield
    }) : () -> ()
    %dma_start3A = arith.constant 0 : i32
    %dma_start3A_5 = arith.constant 0 : i32
    %dma_start3A_6 = tpu.memref_slice %arg7[%dma_start3A, %dma_start3A_5] : memref<40x128xi32, #tpu.memory_space<vmem>> -> memref<1x128xi32, #tpu.memory_space<vmem>>
    %dma_start3A_7 = tpu.memref_squeeze %dma_start3A_6 : memref<1x128xi32, #tpu.memory_space<vmem>> -> memref<128xi32, #tpu.memory_space<vmem>>
    %dma_start3A_8 = arith.constant 0 : i32
    %dma_start3A_9 = arith.constant 0 : i32
    %dma_start3A_10 = tpu.memref_slice %arg2[%dma_start3A_8, %dma_start3A_9] : memref<10000x128xf32, #tpu.memory_space<hbm>> -> memref<10000x128xf32, #tpu.memory_space<hbm>>
    tpu.enqueue_indirect_dma source(%dma_start3A_10 : memref<10000x128xf32, #tpu.memory_space<hbm>>) target(%arg9 : memref<128x128xf32, #tpu.memory_space<vmem>>) offsets(%dma_start3A_7 : memref<128xi32, #tpu.memory_space<vmem>>) semaphore(%arg12 : memref<!tpu.dma_semaphore, #tpu.memory_space<semaphore_mem>>)
    %dma_start3A_11 = arith.constant 1 : i32
    %dma_start3A_12 = arith.constant 0 : i32
    %dma_start3A_13 = tpu.memref_slice %arg7[%dma_start3A_11, %dma_start3A_12] : memref<40x128xi32, #tpu.memory_space<vmem>> -> memref<1x128xi32, #tpu.memory_space<vmem>>
    %dma_start3A_14 = tpu.memref_squeeze %dma_start3A_13 : memref<1x128xi32, #tpu.memory_space<vmem>> -> memref<128xi32, #tpu.memory_space<vmem>>
    %dma_start3A_15 = arith.constant 0 : i32
    %dma_start3A_16 = arith.constant 0 : i32
    %dma_start3A_17 = tpu.memref_slice %arg2[%dma_start3A_15, %dma_start3A_16] : memref<10000x128xf32, #tpu.memory_space<hbm>> -> memref<10000x128xf32, #tpu.memory_space<hbm>>
    tpu.enqueue_indirect_dma source(%dma_start3A_17 : memref<10000x128xf32, #tpu.memory_space<hbm>>) target(%arg10 : memref<128x128xf32, #tpu.memory_space<vmem>>) offsets(%dma_start3A_14 : memref<128xi32, #tpu.memory_space<vmem>>) semaphore(%arg13 : memref<!tpu.dma_semaphore, #tpu.memory_space<semaphore_mem>>)
    %scan3A = arith.constant 0 : i32
    %scan3A_18 = arith.constant 0 : i32
    %scan3A_19 = arith.constant 19 : i32
    %scan3A_20 = arith.addi %scan3A_18, %scan3A_19 : i32
    %scan3A_21 = arith.constant 1 : i32
    scf.for %scan3A_78 = %scan3A_18 to %scan3A_20 step %scan3A_21  : i32 {
      %mul3A_79 = arith.constant 2 : i32
      %mul3A_80 = arith.muli %mul3A_79, %scan3A_78 : i32
      %dma_wait3A_81 = arith.constant 0 : i32
      %dma_wait3A_82 = arith.constant 0 : i32
      %dma_wait3A_83 = tpu.memref_slice %arg7[%dma_wait3A_81, %dma_wait3A_82] : memref<40x128xi32, #tpu.memory_space<vmem>> -> memref<1x128xi32, #tpu.memory_space<vmem>>
      %dma_wait3A_84 = tpu.memref_squeeze %dma_wait3A_83 : memref<1x128xi32, #tpu.memory_space<vmem>> -> memref<128xi32, #tpu.memory_space<vmem>>
      %dma_wait3A_85 = arith.constant 0 : i32
      %dma_wait3A_86 = arith.constant 0 : i32
      %dma_wait3A_87 = tpu.memref_slice %arg2[%dma_wait3A_85, %dma_wait3A_86] : memref<10000x128xf32, #tpu.memory_space<hbm>> -> memref<10000x128xf32, #tpu.memory_space<hbm>>
      tpu.wait_indirect_dma semaphore(%arg12 : memref<!tpu.dma_semaphore, #tpu.memory_space<semaphore_mem>>) src(%dma_wait3A_87 : memref<10000x128xf32, #tpu.memory_space<hbm>>) dst(%arg9 : memref<128x128xf32, #tpu.memory_space<vmem>>)
      "tpu.region"() ({
        %run_scoped3A_113 = tpu.sem_alloc : memref<!tpu.dma_semaphore, #tpu.memory_space<semaphore_mem>>
        %dma_start3A_114 = arith.constant 0 : i32
        %dma_start3A_115 = tpu.memref_slice %arg8[%mul3A_80, %dma_start3A_114] : memref<40x128xi32, #tpu.memory_space<vmem>> -> memref<1x128xi32, #tpu.memory_space<vmem>>
        %dma_start3A_116 = tpu.memref_squeeze %dma_start3A_115 : memref<1x128xi32, #tpu.memory_space<vmem>> -> memref<128xi32, #tpu.memory_space<vmem>>
        %dma_start3A_117 = arith.constant 0 : i32
        %dma_start3A_118 = arith.constant 0 : i32
        %dma_start3A_119 = tpu.memref_slice %arg11[%dma_start3A_117, %dma_start3A_118] : memref<10112x128xf32, #tpu.memory_space<vmem_shared>> -> memref<10112x128xf32, #tpu.memory_space<vmem_shared>>
        tpu.enqueue_indirect_dma source(%arg9 : memref<128x128xf32, #tpu.memory_space<vmem>>) target(%dma_start3A_119 : memref<10112x128xf32, #tpu.memory_space<vmem_shared>>) offsets(%dma_start3A_116 : memref<128xi32, #tpu.memory_space<vmem>>) semaphore(%run_scoped3A_113 : memref<!tpu.dma_semaphore, #tpu.memory_space<semaphore_mem>>) {add = true}
        %dma_wait3A_120 = arith.constant 0 : i32
        %dma_wait3A_121 = tpu.memref_slice %arg8[%mul3A_80, %dma_wait3A_120] : memref<40x128xi32, #tpu.memory_space<vmem>> -> memref<1x128xi32, #tpu.memory_space<vmem>>
        %dma_wait3A_122 = tpu.memref_squeeze %dma_wait3A_121 : memref<1x128xi32, #tpu.memory_space<vmem>> -> memref<128xi32, #tpu.memory_space<vmem>>
        %dma_wait3A_123 = arith.constant 0 : i32
        %dma_wait3A_124 = arith.constant 0 : i32
        %dma_wait3A_125 = tpu.memref_slice %arg11[%dma_wait3A_123, %dma_wait3A_124] : memref<10112x128xf32, #tpu.memory_space<vmem_shared>> -> memref<10112x128xf32, #tpu.memory_space<vmem_shared>>
        tpu.wait_indirect_dma semaphore(%run_scoped3A_113 : memref<!tpu.dma_semaphore, #tpu.memory_space<semaphore_mem>>) src(%arg9 : memref<128x128xf32, #tpu.memory_space<vmem>>) dst(%dma_wait3A_125 : memref<10112x128xf32, #tpu.memory_space<vmem_shared>>)
        tpu.yield
      }) : () -> ()
      %add3A_88 = arith.constant 2 : i32
      %add3A_89 = arith.addi %mul3A_80, %add3A_88 : i32
      %dma_start3A_90 = arith.constant 0 : i32
      %dma_start3A_91 = tpu.memref_slice %arg7[%add3A_89, %dma_start3A_90] : memref<40x128xi32, #tpu.memory_space<vmem>> -> memref<1x128xi32, #tpu.memory_space<vmem>>
      %dma_start3A_92 = tpu.memref_squeeze %dma_start3A_91 : memref<1x128xi32, #tpu.memory_space<vmem>> -> memref<128xi32, #tpu.memory_space<vmem>>
      %dma_start3A_93 = arith.constant 0 : i32
      %dma_start3A_94 = arith.constant 0 : i32
      %dma_start3A_95 = tpu.memref_slice %arg2[%dma_start3A_93, %dma_start3A_94] : memref<10000x128xf32, #tpu.memory_space<hbm>> -> memref<10000x128xf32, #tpu.memory_space<hbm>>
      tpu.enqueue_indirect_dma source(%dma_start3A_95 : memref<10000x128xf32, #tpu.memory_space<hbm>>) target(%arg9 : memref<128x128xf32, #tpu.memory_space<vmem>>) offsets(%dma_start3A_92 : memref<128xi32, #tpu.memory_space<vmem>>) semaphore(%arg12 : memref<!tpu.dma_semaphore, #tpu.memory_space<semaphore_mem>>)
      %dma_wait3A_96 = arith.constant 0 : i32
      %dma_wait3A_97 = arith.constant 0 : i32
      %dma_wait3A_98 = tpu.memref_slice %arg7[%dma_wait3A_96, %dma_wait3A_97] : memref<40x128xi32, #tpu.memory_space<vmem>> -> memref<1x128xi32, #tpu.memory_space<vmem>>
      %dma_wait3A_99 = tpu.memref_squeeze %dma_wait3A_98 : memref<1x128xi32, #tpu.memory_space<vmem>> -> memref<128xi32, #tpu.memory_space<vmem>>
      %dma_wait3A_100 = arith.constant 0 : i32
      %dma_wait3A_101 = arith.constant 0 : i32
      %dma_wait3A_102 = tpu.memref_slice %arg2[%dma_wait3A_100, %dma_wait3A_101] : memref<10000x128xf32, #tpu.memory_space<hbm>> -> memref<10000x128xf32, #tpu.memory_space<hbm>>
      tpu.wait_indirect_dma semaphore(%arg13 : memref<!tpu.dma_semaphore, #tpu.memory_space<semaphore_mem>>) src(%dma_wait3A_102 : memref<10000x128xf32, #tpu.memory_space<hbm>>) dst(%arg10 : memref<128x128xf32, #tpu.memory_space<vmem>>)
      %add3A_103 = arith.constant 1 : i32
      %add3A_104 = arith.addi %mul3A_80, %add3A_103 : i32
      "tpu.region"() ({
        %run_scoped3A_113 = tpu.sem_alloc : memref<!tpu.dma_semaphore, #tpu.memory_space<semaphore_mem>>
        %dma_start3A_114 = arith.constant 0 : i32
        %dma_start3A_115 = tpu.memref_slice %arg8[%add3A_104, %dma_start3A_114] : memref<40x128xi32, #tpu.memory_space<vmem>> -> memref<1x128xi32, #tpu.memory_space<vmem>>
        %dma_start3A_116 = tpu.memref_squeeze %dma_start3A_115 : memref<1x128xi32, #tpu.memory_space<vmem>> -> memref<128xi32, #tpu.memory_space<vmem>>
        %dma_start3A_117 = arith.constant 0 : i32
        %dma_start3A_118 = arith.constant 0 : i32
        %dma_start3A_119 = tpu.memref_slice %arg11[%dma_start3A_117, %dma_start3A_118] : memref<10112x128xf32, #tpu.memory_space<vmem_shared>> -> memref<10112x128xf32, #tpu.memory_space<vmem_shared>>
        tpu.enqueue_indirect_dma source(%arg10 : memref<128x128xf32, #tpu.memory_space<vmem>>) target(%dma_start3A_119 : memref<10112x128xf32, #tpu.memory_space<vmem_shared>>) offsets(%dma_start3A_116 : memref<128xi32, #tpu.memory_space<vmem>>) semaphore(%run_scoped3A_113 : memref<!tpu.dma_semaphore, #tpu.memory_space<semaphore_mem>>) {add = true}
        %dma_wait3A_120 = arith.constant 0 : i32
        %dma_wait3A_121 = tpu.memref_slice %arg8[%add3A_104, %dma_wait3A_120] : memref<40x128xi32, #tpu.memory_space<vmem>> -> memref<1x128xi32, #tpu.memory_space<vmem>>
        %dma_wait3A_122 = tpu.memref_squeeze %dma_wait3A_121 : memref<1x128xi32, #tpu.memory_space<vmem>> -> memref<128xi32, #tpu.memory_space<vmem>>
        %dma_wait3A_123 = arith.constant 0 : i32
        %dma_wait3A_124 = arith.constant 0 : i32
        %dma_wait3A_125 = tpu.memref_slice %arg11[%dma_wait3A_123, %dma_wait3A_124] : memref<10112x128xf32, #tpu.memory_space<vmem_shared>> -> memref<10112x128xf32, #tpu.memory_space<vmem_shared>>
        tpu.wait_indirect_dma semaphore(%run_scoped3A_113 : memref<!tpu.dma_semaphore, #tpu.memory_space<semaphore_mem>>) src(%arg10 : memref<128x128xf32, #tpu.memory_space<vmem>>) dst(%dma_wait3A_125 : memref<10112x128xf32, #tpu.memory_space<vmem_shared>>)
        tpu.yield
      }) : () -> ()
      %add3A_105 = arith.constant 3 : i32
      %add3A_106 = arith.addi %mul3A_80, %add3A_105 : i32
      %dma_start3A_107 = arith.constant 0 : i32
      %dma_start3A_108 = tpu.memref_slice %arg7[%add3A_106, %dma_start3A_107] : memref<40x128xi32, #tpu.memory_space<vmem>> -> memref<1x128xi32, #tpu.memory_space<vmem>>
      %dma_start3A_109 = tpu.memref_squeeze %dma_start3A_108 : memref<1x128xi32, #tpu.memory_space<vmem>> -> memref<128xi32, #tpu.memory_space<vmem>>
      %dma_start3A_110 = arith.constant 0 : i32
      %dma_start3A_111 = arith.constant 0 : i32
      %dma_start3A_112 = tpu.memref_slice %arg2[%dma_start3A_110, %dma_start3A_111] : memref<10000x128xf32, #tpu.memory_space<hbm>> -> memref<10000x128xf32, #tpu.memory_space<hbm>>
      tpu.enqueue_indirect_dma source(%dma_start3A_112 : memref<10000x128xf32, #tpu.memory_space<hbm>>) target(%arg10 : memref<128x128xf32, #tpu.memory_space<vmem>>) offsets(%dma_start3A_109 : memref<128xi32, #tpu.memory_space<vmem>>) semaphore(%arg13 : memref<!tpu.dma_semaphore, #tpu.memory_space<semaphore_mem>>)
    }
    %scan3A_22 = arith.constant 19 : i32
    %dma_wait3A = arith.constant 0 : i32
    %dma_wait3A_23 = arith.constant 0 : i32
    %dma_wait3A_24 = tpu.memref_slice %arg7[%dma_wait3A, %dma_wait3A_23] : memref<40x128xi32, #tpu.memory_space<vmem>> -> memref<1x128xi32, #tpu.memory_space<vmem>>
    %dma_wait3A_25 = tpu.memref_squeeze %dma_wait3A_24 : memref<1x128xi32, #tpu.memory_space<vmem>> -> memref<128xi32, #tpu.memory_space<vmem>>
    %dma_wait3A_26 = arith.constant 0 : i32
    %dma_wait3A_27 = arith.constant 0 : i32
    %dma_wait3A_28 = tpu.memref_slice %arg2[%dma_wait3A_26, %dma_wait3A_27] : memref<10000x128xf32, #tpu.memory_space<hbm>> -> memref<10000x128xf32, #tpu.memory_space<hbm>>
    tpu.wait_indirect_dma semaphore(%arg12 : memref<!tpu.dma_semaphore, #tpu.memory_space<semaphore_mem>>) src(%dma_wait3A_28 : memref<10000x128xf32, #tpu.memory_space<hbm>>) dst(%arg9 : memref<128x128xf32, #tpu.memory_space<vmem>>)
    %run_scoped3A = arith.constant 38 : i32
    "tpu.region"() ({
      %run_scoped3A_78 = tpu.sem_alloc : memref<!tpu.dma_semaphore, #tpu.memory_space<semaphore_mem>>
      %dma_start3A_79 = arith.constant 0 : i32
      %dma_start3A_80 = tpu.memref_slice %arg8[%run_scoped3A, %dma_start3A_79] : memref<40x128xi32, #tpu.memory_space<vmem>> -> memref<1x128xi32, #tpu.memory_space<vmem>>
      %dma_start3A_81 = tpu.memref_squeeze %dma_start3A_80 : memref<1x128xi32, #tpu.memory_space<vmem>> -> memref<128xi32, #tpu.memory_space<vmem>>
      %dma_start3A_82 = arith.constant 0 : i32
      %dma_start3A_83 = arith.constant 0 : i32
      %dma_start3A_84 = tpu.memref_slice %arg11[%dma_start3A_82, %dma_start3A_83] : memref<10112x128xf32, #tpu.memory_space<vmem_shared>> -> memref<10112x128xf32, #tpu.memory_space<vmem_shared>>
      tpu.enqueue_indirect_dma source(%arg9 : memref<128x128xf32, #tpu.memory_space<vmem>>) target(%dma_start3A_84 : memref<10112x128xf32, #tpu.memory_space<vmem_shared>>) offsets(%dma_start3A_81 : memref<128xi32, #tpu.memory_space<vmem>>) semaphore(%run_scoped3A_78 : memref<!tpu.dma_semaphore, #tpu.memory_space<semaphore_mem>>) {add = true}
      %dma_wait3A_85 = arith.constant 0 : i32
      %dma_wait3A_86 = tpu.memref_slice %arg8[%run_scoped3A, %dma_wait3A_85] : memref<40x128xi32, #tpu.memory_space<vmem>> -> memref<1x128xi32, #tpu.memory_space<vmem>>
      %dma_wait3A_87 = tpu.memref_squeeze %dma_wait3A_86 : memref<1x128xi32, #tpu.memory_space<vmem>> -> memref<128xi32, #tpu.memory_space<vmem>>
      %dma_wait3A_88 = arith.constant 0 : i32
      %dma_wait3A_89 = arith.constant 0 : i32
      %dma_wait3A_90 = tpu.memref_slice %arg11[%dma_wait3A_88, %dma_wait3A_89] : memref<10112x128xf32, #tpu.memory_space<vmem_shared>> -> memref<10112x128xf32, #tpu.memory_space<vmem_shared>>
      tpu.wait_indirect_dma semaphore(%run_scoped3A_78 : memref<!tpu.dma_semaphore, #tpu.memory_space<semaphore_mem>>) src(%arg9 : memref<128x128xf32, #tpu.memory_space<vmem>>) dst(%dma_wait3A_90 : memref<10112x128xf32, #tpu.memory_space<vmem_shared>>)
      tpu.yield
    }) : () -> ()
    %dma_wait3A_29 = arith.constant 0 : i32
    %dma_wait3A_30 = arith.constant 0 : i32
    %dma_wait3A_31 = tpu.memref_slice %arg7[%dma_wait3A_29, %dma_wait3A_30] : memref<40x128xi32, #tpu.memory_space<vmem>> -> memref<1x128xi32, #tpu.memory_space<vmem>>
    %dma_wait3A_32 = tpu.memref_squeeze %dma_wait3A_31 : memref<1x128xi32, #tpu.memory_space<vmem>> -> memref<128xi32, #tpu.memory_space<vmem>>
    %dma_wait3A_33 = arith.constant 0 : i32
    %dma_wait3A_34 = arith.constant 0 : i32
    %dma_wait3A_35 = tpu.memref_slice %arg2[%dma_wait3A_33, %dma_wait3A_34] : memref<10000x128xf32, #tpu.memory_space<hbm>> -> memref<10000x128xf32, #tpu.memory_space<hbm>>
    tpu.wait_indirect_dma semaphore(%arg13 : memref<!tpu.dma_semaphore, #tpu.memory_space<semaphore_mem>>) src(%dma_wait3A_35 : memref<10000x128xf32, #tpu.memory_space<hbm>>) dst(%arg10 : memref<128x128xf32, #tpu.memory_space<vmem>>)
    %run_scoped3A_36 = arith.constant 39 : i32
    "tpu.region"() ({
      %run_scoped3A_78 = tpu.sem_alloc : memref<!tpu.dma_semaphore, #tpu.memory_space<semaphore_mem>>
      %dma_start3A_79 = arith.constant 0 : i32
      %dma_start3A_80 = tpu.memref_slice %arg8[%run_scoped3A_36, %dma_start3A_79] : memref<40x128xi32, #tpu.memory_space<vmem>> -> memref<1x128xi32, #tpu.memory_space<vmem>>
      %dma_start3A_81 = tpu.memref_squeeze %dma_start3A_80 : memref<1x128xi32, #tpu.memory_space<vmem>> -> memref<128xi32, #tpu.memory_space<vmem>>
      %dma_start3A_82 = arith.constant 0 : i32
      %dma_start3A_83 = arith.constant 0 : i32
      %dma_start3A_84 = tpu.memref_slice %arg11[%dma_start3A_82, %dma_start3A_83] : memref<10112x128xf32, #tpu.memory_space<vmem_shared>> -> memref<10112x128xf32, #tpu.memory_space<vmem_shared>>
      tpu.enqueue_indirect_dma source(%arg10 : memref<128x128xf32, #tpu.memory_space<vmem>>) target(%dma_start3A_84 : memref<10112x128xf32, #tpu.memory_space<vmem_shared>>) offsets(%dma_start3A_81 : memref<128xi32, #tpu.memory_space<vmem>>) semaphore(%run_scoped3A_78 : memref<!tpu.dma_semaphore, #tpu.memory_space<semaphore_mem>>) {add = true}
      %dma_wait3A_85 = arith.constant 0 : i32
      %dma_wait3A_86 = tpu.memref_slice %arg8[%run_scoped3A_36, %dma_wait3A_85] : memref<40x128xi32, #tpu.memory_space<vmem>> -> memref<1x128xi32, #tpu.memory_space<vmem>>
      %dma_wait3A_87 = tpu.memref_squeeze %dma_wait3A_86 : memref<1x128xi32, #tpu.memory_space<vmem>> -> memref<128xi32, #tpu.memory_space<vmem>>
      %dma_wait3A_88 = arith.constant 0 : i32
      %dma_wait3A_89 = arith.constant 0 : i32
      %dma_wait3A_90 = tpu.memref_slice %arg11[%dma_wait3A_88, %dma_wait3A_89] : memref<10112x128xf32, #tpu.memory_space<vmem_shared>> -> memref<10112x128xf32, #tpu.memory_space<vmem_shared>>
      tpu.wait_indirect_dma semaphore(%run_scoped3A_78 : memref<!tpu.dma_semaphore, #tpu.memory_space<semaphore_mem>>) src(%arg10 : memref<128x128xf32, #tpu.memory_space<vmem>>) dst(%dma_wait3A_90 : memref<10112x128xf32, #tpu.memory_space<vmem_shared>>)
      tpu.yield
    }) : () -> ()
    "tpu.region"() ({
      %run_scoped3A_78 = tpu.sem_alloc : memref<!tpu.dma_semaphore, #tpu.memory_space<semaphore_mem>>
      %dma_start3A_79 = arith.constant 40 : i32
      %dma_start3A_80 = arith.constant 0 : i32
      %dma_start3A_81 = tpu.memref_slice %arg3[%add3A, %dma_start3A_79, %dma_start3A_80] : memref<32x80x128xi32, #tpu.memory_space<hbm>> -> memref<1x40x128xi32, #tpu.memory_space<hbm>>
      %dma_start3A_82 = tpu.memref_squeeze %dma_start3A_81 : memref<1x40x128xi32, #tpu.memory_space<hbm>> -> memref<40x128xi32, #tpu.memory_space<hbm>>
      %dma_start3A_83 = arith.constant 40 : i32
      %dma_start3A_84 = arith.constant 0 : i32
      %dma_start3A_85 = tpu.memref_slice %arg3[%add3A, %dma_start3A_83, %dma_start3A_84] : memref<32x80x128xi32, #tpu.memory_space<hbm>> -> memref<1x40x128xi32, #tpu.memory_space<hbm>>
      %dma_start3A_86 = tpu.memref_squeeze %dma_start3A_85 : memref<1x40x128xi32, #tpu.memory_space<hbm>> -> memref<40x128xi32, #tpu.memory_space<hbm>>
      tpu.enqueue_dma source(%dma_start3A_86 : memref<40x128xi32, #tpu.memory_space<hbm>>) target(%arg7 : memref<40x128xi32, #tpu.memory_space<vmem>>) target_semaphore(%run_scoped3A_78 : memref<!tpu.dma_semaphore, #tpu.memory_space<semaphore_mem>>)
      %dma_wait3A_87 = arith.constant 40 : i32
      %dma_wait3A_88 = arith.constant 0 : i32
      %dma_wait3A_89 = tpu.memref_slice %arg3[%add3A, %dma_wait3A_87, %dma_wait3A_88] : memref<32x80x128xi32, #tpu.memory_space<hbm>> -> memref<1x40x128xi32, #tpu.memory_space<hbm>>
      %dma_wait3A_90 = tpu.memref_squeeze %dma_wait3A_89 : memref<1x40x128xi32, #tpu.memory_space<hbm>> -> memref<40x128xi32, #tpu.memory_space<hbm>>
      %dma_wait3A_91 = arith.constant 40 : i32
      %dma_wait3A_92 = arith.constant 0 : i32
      %dma_wait3A_93 = tpu.memref_slice %arg3[%add3A, %dma_wait3A_91, %dma_wait3A_92] : memref<32x80x128xi32, #tpu.memory_space<hbm>> -> memref<1x40x128xi32, #tpu.memory_space<hbm>>
      %dma_wait3A_94 = tpu.memref_squeeze %dma_wait3A_93 : memref<1x40x128xi32, #tpu.memory_space<hbm>> -> memref<40x128xi32, #tpu.memory_space<hbm>>
      tpu.wait_dma2 semaphore(%run_scoped3A_78 : memref<!tpu.dma_semaphore, #tpu.memory_space<semaphore_mem>>) src(%dma_wait3A_94 : memref<40x128xi32, #tpu.memory_space<hbm>>) dst(%arg7 : memref<40x128xi32, #tpu.memory_space<vmem>>)
      tpu.yield
    }) : () -> ()
    "tpu.region"() ({
      %run_scoped3A_78 = tpu.sem_alloc : memref<!tpu.dma_semaphore, #tpu.memory_space<semaphore_mem>>
      %dma_start3A_79 = arith.constant 40 : i32
      %dma_start3A_80 = arith.constant 0 : i32
      %dma_start3A_81 = tpu.memref_slice %arg4[%add3A, %dma_start3A_79, %dma_start3A_80] : memref<32x80x128xi32, #tpu.memory_space<hbm>> -> memref<1x40x128xi32, #tpu.memory_space<hbm>>
      %dma_start3A_82 = tpu.memref_squeeze %dma_start3A_81 : memref<1x40x128xi32, #tpu.memory_space<hbm>> -> memref<40x128xi32, #tpu.memory_space<hbm>>
      %dma_start3A_83 = arith.constant 40 : i32
      %dma_start3A_84 = arith.constant 0 : i32
      %dma_start3A_85 = tpu.memref_slice %arg4[%add3A, %dma_start3A_83, %dma_start3A_84] : memref<32x80x128xi32, #tpu.memory_space<hbm>> -> memref<1x40x128xi32, #tpu.memory_space<hbm>>
      %dma_start3A_86 = tpu.memref_squeeze %dma_start3A_85 : memref<1x40x128xi32, #tpu.memory_space<hbm>> -> memref<40x128xi32, #tpu.memory_space<hbm>>
      tpu.enqueue_dma source(%dma_start3A_86 : memref<40x128xi32, #tpu.memory_space<hbm>>) target(%arg8 : memref<40x128xi32, #tpu.memory_space<vmem>>) target_semaphore(%run_scoped3A_78 : memref<!tpu.dma_semaphore, #tpu.memory_space<semaphore_mem>>)
      %dma_wait3A_87 = arith.constant 40 : i32
      %dma_wait3A_88 = arith.constant 0 : i32
      %dma_wait3A_89 = tpu.memref_slice %arg4[%add3A, %dma_wait3A_87, %dma_wait3A_88] : memref<32x80x128xi32, #tpu.memory_space<hbm>> -> memref<1x40x128xi32, #tpu.memory_space<hbm>>
      %dma_wait3A_90 = tpu.memref_squeeze %dma_wait3A_89 : memref<1x40x128xi32, #tpu.memory_space<hbm>> -> memref<40x128xi32, #tpu.memory_space<hbm>>
      %dma_wait3A_91 = arith.constant 40 : i32
      %dma_wait3A_92 = arith.constant 0 : i32
      %dma_wait3A_93 = tpu.memref_slice %arg4[%add3A, %dma_wait3A_91, %dma_wait3A_92] : memref<32x80x128xi32, #tpu.memory_space<hbm>> -> memref<1x40x128xi32, #tpu.memory_space<hbm>>
      %dma_wait3A_94 = tpu.memref_squeeze %dma_wait3A_93 : memref<1x40x128xi32, #tpu.memory_space<hbm>> -> memref<40x128xi32, #tpu.memory_space<hbm>>
      tpu.wait_dma2 semaphore(%run_scoped3A_78 : memref<!tpu.dma_semaphore, #tpu.memory_space<semaphore_mem>>) src(%dma_wait3A_94 : memref<40x128xi32, #tpu.memory_space<hbm>>) dst(%arg8 : memref<40x128xi32, #tpu.memory_space<vmem>>)
      tpu.yield
    }) : () -> ()
    %dma_start3A_37 = arith.constant 0 : i32
    %dma_start3A_38 = arith.constant 0 : i32
    %dma_start3A_39 = tpu.memref_slice %arg7[%dma_start3A_37, %dma_start3A_38] : memref<40x128xi32, #tpu.memory_space<vmem>> -> memref<1x128xi32, #tpu.memory_space<vmem>>
    %dma_start3A_40 = tpu.memref_squeeze %dma_start3A_39 : memref<1x128xi32, #tpu.memory_space<vmem>> -> memref<128xi32, #tpu.memory_space<vmem>>
    %dma_start3A_41 = arith.constant 0 : i32
    %dma_start3A_42 = arith.constant 0 : i32
    %dma_start3A_43 = tpu.memref_slice %arg2[%dma_start3A_41, %dma_start3A_42] : memref<10000x128xf32, #tpu.memory_space<hbm>> -> memref<10000x128xf32, #tpu.memory_space<hbm>>
    tpu.enqueue_indirect_dma source(%dma_start3A_43 : memref<10000x128xf32, #tpu.memory_space<hbm>>) target(%arg9 : memref<128x128xf32, #tpu.memory_space<vmem>>) offsets(%dma_start3A_40 : memref<128xi32, #tpu.memory_space<vmem>>) semaphore(%arg12 : memref<!tpu.dma_semaphore, #tpu.memory_space<semaphore_mem>>)
    %dma_start3A_44 = arith.constant 1 : i32
    %dma_start3A_45 = arith.constant 0 : i32
    %dma_start3A_46 = tpu.memref_slice %arg7[%dma_start3A_44, %dma_start3A_45] : memref<40x128xi32, #tpu.memory_space<vmem>> -> memref<1x128xi32, #tpu.memory_space<vmem>>
    %dma_start3A_47 = tpu.memref_squeeze %dma_start3A_46 : memref<1x128xi32, #tpu.memory_space<vmem>> -> memref<128xi32, #tpu.memory_space<vmem>>
    %dma_start3A_48 = arith.constant 0 : i32
    %dma_start3A_49 = arith.constant 0 : i32
    %dma_start3A_50 = tpu.memref_slice %arg2[%dma_start3A_48, %dma_start3A_49] : memref<10000x128xf32, #tpu.memory_space<hbm>> -> memref<10000x128xf32, #tpu.memory_space<hbm>>
    tpu.enqueue_indirect_dma source(%dma_start3A_50 : memref<10000x128xf32, #tpu.memory_space<hbm>>) target(%arg10 : memref<128x128xf32, #tpu.memory_space<vmem>>) offsets(%dma_start3A_47 : memref<128xi32, #tpu.memory_space<vmem>>) semaphore(%arg13 : memref<!tpu.dma_semaphore, #tpu.memory_space<semaphore_mem>>)
    %scan3A_51 = arith.constant 0 : i32
    %scan3A_52 = arith.constant 0 : i32
    %scan3A_53 = arith.constant 19 : i32
    %scan3A_54 = arith.addi %scan3A_52, %scan3A_53 : i32
    %scan3A_55 = arith.constant 1 : i32
    scf.for %scan3A_78 = %scan3A_52 to %scan3A_54 step %scan3A_55  : i32 {
      %mul3A_79 = arith.constant 2 : i32
      %mul3A_80 = arith.muli %mul3A_79, %scan3A_78 : i32
      %dma_wait3A_81 = arith.constant 0 : i32
      %dma_wait3A_82 = arith.constant 0 : i32
      %dma_wait3A_83 = tpu.memref_slice %arg7[%dma_wait3A_81, %dma_wait3A_82] : memref<40x128xi32, #tpu.memory_space<vmem>> -> memref<1x128xi32, #tpu.memory_space<vmem>>
      %dma_wait3A_84 = tpu.memref_squeeze %dma_wait3A_83 : memref<1x128xi32, #tpu.memory_space<vmem>> -> memref<128xi32, #tpu.memory_space<vmem>>
      %dma_wait3A_85 = arith.constant 0 : i32
      %dma_wait3A_86 = arith.constant 0 : i32
      %dma_wait3A_87 = tpu.memref_slice %arg2[%dma_wait3A_85, %dma_wait3A_86] : memref<10000x128xf32, #tpu.memory_space<hbm>> -> memref<10000x128xf32, #tpu.memory_space<hbm>>
      tpu.wait_indirect_dma semaphore(%arg12 : memref<!tpu.dma_semaphore, #tpu.memory_space<semaphore_mem>>) src(%dma_wait3A_87 : memref<10000x128xf32, #tpu.memory_space<hbm>>) dst(%arg9 : memref<128x128xf32, #tpu.memory_space<vmem>>)
      "tpu.region"() ({
        %run_scoped3A_113 = tpu.sem_alloc : memref<!tpu.dma_semaphore, #tpu.memory_space<semaphore_mem>>
        %dma_start3A_114 = arith.constant 0 : i32
        %dma_start3A_115 = tpu.memref_slice %arg8[%mul3A_80, %dma_start3A_114] : memref<40x128xi32, #tpu.memory_space<vmem>> -> memref<1x128xi32, #tpu.memory_space<vmem>>
        %dma_start3A_116 = tpu.memref_squeeze %dma_start3A_115 : memref<1x128xi32, #tpu.memory_space<vmem>> -> memref<128xi32, #tpu.memory_space<vmem>>
        %dma_start3A_117 = arith.constant 0 : i32
        %dma_start3A_118 = arith.constant 0 : i32
        %dma_start3A_119 = tpu.memref_slice %arg11[%dma_start3A_117, %dma_start3A_118] : memref<10112x128xf32, #tpu.memory_space<vmem_shared>> -> memref<10112x128xf32, #tpu.memory_space<vmem_shared>>
        tpu.enqueue_indirect_dma source(%arg9 : memref<128x128xf32, #tpu.memory_space<vmem>>) target(%dma_start3A_119 : memref<10112x128xf32, #tpu.memory_space<vmem_shared>>) offsets(%dma_start3A_116 : memref<128xi32, #tpu.memory_space<vmem>>) semaphore(%run_scoped3A_113 : memref<!tpu.dma_semaphore, #tpu.memory_space<semaphore_mem>>) {add = true}
        %dma_wait3A_120 = arith.constant 0 : i32
        %dma_wait3A_121 = tpu.memref_slice %arg8[%mul3A_80, %dma_wait3A_120] : memref<40x128xi32, #tpu.memory_space<vmem>> -> memref<1x128xi32, #tpu.memory_space<vmem>>
        %dma_wait3A_122 = tpu.memref_squeeze %dma_wait3A_121 : memref<1x128xi32, #tpu.memory_space<vmem>> -> memref<128xi32, #tpu.memory_space<vmem>>
        %dma_wait3A_123 = arith.constant 0 : i32
        %dma_wait3A_124 = arith.constant 0 : i32
        %dma_wait3A_125 = tpu.memref_slice %arg11[%dma_wait3A_123, %dma_wait3A_124] : memref<10112x128xf32, #tpu.memory_space<vmem_shared>> -> memref<10112x128xf32, #tpu.memory_space<vmem_shared>>
        tpu.wait_indirect_dma semaphore(%run_scoped3A_113 : memref<!tpu.dma_semaphore, #tpu.memory_space<semaphore_mem>>) src(%arg9 : memref<128x128xf32, #tpu.memory_space<vmem>>) dst(%dma_wait3A_125 : memref<10112x128xf32, #tpu.memory_space<vmem_shared>>)
        tpu.yield
      }) : () -> ()
      %add3A_88 = arith.constant 2 : i32
      %add3A_89 = arith.addi %mul3A_80, %add3A_88 : i32
      %dma_start3A_90 = arith.constant 0 : i32
      %dma_start3A_91 = tpu.memref_slice %arg7[%add3A_89, %dma_start3A_90] : memref<40x128xi32, #tpu.memory_space<vmem>> -> memref<1x128xi32, #tpu.memory_space<vmem>>
      %dma_start3A_92 = tpu.memref_squeeze %dma_start3A_91 : memref<1x128xi32, #tpu.memory_space<vmem>> -> memref<128xi32, #tpu.memory_space<vmem>>
      %dma_start3A_93 = arith.constant 0 : i32
      %dma_start3A_94 = arith.constant 0 : i32
      %dma_start3A_95 = tpu.memref_slice %arg2[%dma_start3A_93, %dma_start3A_94] : memref<10000x128xf32, #tpu.memory_space<hbm>> -> memref<10000x128xf32, #tpu.memory_space<hbm>>
      tpu.enqueue_indirect_dma source(%dma_start3A_95 : memref<10000x128xf32, #tpu.memory_space<hbm>>) target(%arg9 : memref<128x128xf32, #tpu.memory_space<vmem>>) offsets(%dma_start3A_92 : memref<128xi32, #tpu.memory_space<vmem>>) semaphore(%arg12 : memref<!tpu.dma_semaphore, #tpu.memory_space<semaphore_mem>>)
      %dma_wait3A_96 = arith.constant 0 : i32
      %dma_wait3A_97 = arith.constant 0 : i32
      %dma_wait3A_98 = tpu.memref_slice %arg7[%dma_wait3A_96, %dma_wait3A_97] : memref<40x128xi32, #tpu.memory_space<vmem>> -> memref<1x128xi32, #tpu.memory_space<vmem>>
      %dma_wait3A_99 = tpu.memref_squeeze %dma_wait3A_98 : memref<1x128xi32, #tpu.memory_space<vmem>> -> memref<128xi32, #tpu.memory_space<vmem>>
      %dma_wait3A_100 = arith.constant 0 : i32
      %dma_wait3A_101 = arith.constant 0 : i32
      %dma_wait3A_102 = tpu.memref_slice %arg2[%dma_wait3A_100, %dma_wait3A_101] : memref<10000x128xf32, #tpu.memory_space<hbm>> -> memref<10000x128xf32, #tpu.memory_space<hbm>>
      tpu.wait_indirect_dma semaphore(%arg13 : memref<!tpu.dma_semaphore, #tpu.memory_space<semaphore_mem>>) src(%dma_wait3A_102 : memref<10000x128xf32, #tpu.memory_space<hbm>>) dst(%arg10 : memref<128x128xf32, #tpu.memory_space<vmem>>)
      %add3A_103 = arith.constant 1 : i32
      %add3A_104 = arith.addi %mul3A_80, %add3A_103 : i32
      "tpu.region"() ({
        %run_scoped3A_113 = tpu.sem_alloc : memref<!tpu.dma_semaphore, #tpu.memory_space<semaphore_mem>>
        %dma_start3A_114 = arith.constant 0 : i32
        %dma_start3A_115 = tpu.memref_slice %arg8[%add3A_104, %dma_start3A_114] : memref<40x128xi32, #tpu.memory_space<vmem>> -> memref<1x128xi32, #tpu.memory_space<vmem>>
        %dma_start3A_116 = tpu.memref_squeeze %dma_start3A_115 : memref<1x128xi32, #tpu.memory_space<vmem>> -> memref<128xi32, #tpu.memory_space<vmem>>
        %dma_start3A_117 = arith.constant 0 : i32
        %dma_start3A_118 = arith.constant 0 : i32
        %dma_start3A_119 = tpu.memref_slice %arg11[%dma_start3A_117, %dma_start3A_118] : memref<10112x128xf32, #tpu.memory_space<vmem_shared>> -> memref<10112x128xf32, #tpu.memory_space<vmem_shared>>
        tpu.enqueue_indirect_dma source(%arg10 : memref<128x128xf32, #tpu.memory_space<vmem>>) target(%dma_start3A_119 : memref<10112x128xf32, #tpu.memory_space<vmem_shared>>) offsets(%dma_start3A_116 : memref<128xi32, #tpu.memory_space<vmem>>) semaphore(%run_scoped3A_113 : memref<!tpu.dma_semaphore, #tpu.memory_space<semaphore_mem>>) {add = true}
        %dma_wait3A_120 = arith.constant 0 : i32
        %dma_wait3A_121 = tpu.memref_slice %arg8[%add3A_104, %dma_wait3A_120] : memref<40x128xi32, #tpu.memory_space<vmem>> -> memref<1x128xi32, #tpu.memory_space<vmem>>
        %dma_wait3A_122 = tpu.memref_squeeze %dma_wait3A_121 : memref<1x128xi32, #tpu.memory_space<vmem>> -> memref<128xi32, #tpu.memory_space<vmem>>
        %dma_wait3A_123 = arith.constant 0 : i32
        %dma_wait3A_124 = arith.constant 0 : i32
        %dma_wait3A_125 = tpu.memref_slice %arg11[%dma_wait3A_123, %dma_wait3A_124] : memref<10112x128xf32, #tpu.memory_space<vmem_shared>> -> memref<10112x128xf32, #tpu.memory_space<vmem_shared>>
        tpu.wait_indirect_dma semaphore(%run_scoped3A_113 : memref<!tpu.dma_semaphore, #tpu.memory_space<semaphore_mem>>) src(%arg10 : memref<128x128xf32, #tpu.memory_space<vmem>>) dst(%dma_wait3A_125 : memref<10112x128xf32, #tpu.memory_space<vmem_shared>>)
        tpu.yield
      }) : () -> ()
      %add3A_105 = arith.constant 3 : i32
      %add3A_106 = arith.addi %mul3A_80, %add3A_105 : i32
      %dma_start3A_107 = arith.constant 0 : i32
      %dma_start3A_108 = tpu.memref_slice %arg7[%add3A_106, %dma_start3A_107] : memref<40x128xi32, #tpu.memory_space<vmem>> -> memref<1x128xi32, #tpu.memory_space<vmem>>
      %dma_start3A_109 = tpu.memref_squeeze %dma_start3A_108 : memref<1x128xi32, #tpu.memory_space<vmem>> -> memref<128xi32, #tpu.memory_space<vmem>>
      %dma_start3A_110 = arith.constant 0 : i32
      %dma_start3A_111 = arith.constant 0 : i32
      %dma_start3A_112 = tpu.memref_slice %arg2[%dma_start3A_110, %dma_start3A_111] : memref<10000x128xf32, #tpu.memory_space<hbm>> -> memref<10000x128xf32, #tpu.memory_space<hbm>>
      tpu.enqueue_indirect_dma source(%dma_start3A_112 : memref<10000x128xf32, #tpu.memory_space<hbm>>) target(%arg10 : memref<128x128xf32, #tpu.memory_space<vmem>>) offsets(%dma_start3A_109 : memref<128xi32, #tpu.memory_space<vmem>>) semaphore(%arg13 : memref<!tpu.dma_semaphore, #tpu.memory_space<semaphore_mem>>)
    }
    %scan3A_56 = arith.constant 19 : i32
    %dma_wait3A_57 = arith.constant 0 : i32
    %dma_wait3A_58 = arith.constant 0 : i32
    %dma_wait3A_59 = tpu.memref_slice %arg7[%dma_wait3A_57, %dma_wait3A_58] : memref<40x128xi32, #tpu.memory_space<vmem>> -> memref<1x128xi32, #tpu.memory_space<vmem>>
    %dma_wait3A_60 = tpu.memref_squeeze %dma_wait3A_59 : memref<1x128xi32, #tpu.memory_space<vmem>> -> memref<128xi32, #tpu.memory_space<vmem>>
    %dma_wait3A_61 = arith.constant 0 : i32
    %dma_wait3A_62 = arith.constant 0 : i32
    %dma_wait3A_63 = tpu.memref_slice %arg2[%dma_wait3A_61, %dma_wait3A_62] : memref<10000x128xf32, #tpu.memory_space<hbm>> -> memref<10000x128xf32, #tpu.memory_space<hbm>>
    tpu.wait_indirect_dma semaphore(%arg12 : memref<!tpu.dma_semaphore, #tpu.memory_space<semaphore_mem>>) src(%dma_wait3A_63 : memref<10000x128xf32, #tpu.memory_space<hbm>>) dst(%arg9 : memref<128x128xf32, #tpu.memory_space<vmem>>)
    %run_scoped3A_64 = arith.constant 38 : i32
    "tpu.region"() ({
      %run_scoped3A_78 = tpu.sem_alloc : memref<!tpu.dma_semaphore, #tpu.memory_space<semaphore_mem>>
      %dma_start3A_79 = arith.constant 0 : i32
      %dma_start3A_80 = tpu.memref_slice %arg8[%run_scoped3A_64, %dma_start3A_79] : memref<40x128xi32, #tpu.memory_space<vmem>> -> memref<1x128xi32, #tpu.memory_space<vmem>>
      %dma_start3A_81 = tpu.memref_squeeze %dma_start3A_80 : memref<1x128xi32, #tpu.memory_space<vmem>> -> memref<128xi32, #tpu.memory_space<vmem>>
      %dma_start3A_82 = arith.constant 0 : i32
      %dma_start3A_83 = arith.constant 0 : i32
      %dma_start3A_84 = tpu.memref_slice %arg11[%dma_start3A_82, %dma_start3A_83] : memref<10112x128xf32, #tpu.memory_space<vmem_shared>> -> memref<10112x128xf32, #tpu.memory_space<vmem_shared>>
      tpu.enqueue_indirect_dma source(%arg9 : memref<128x128xf32, #tpu.memory_space<vmem>>) target(%dma_start3A_84 : memref<10112x128xf32, #tpu.memory_space<vmem_shared>>) offsets(%dma_start3A_81 : memref<128xi32, #tpu.memory_space<vmem>>) semaphore(%run_scoped3A_78 : memref<!tpu.dma_semaphore, #tpu.memory_space<semaphore_mem>>) {add = true}
      %dma_wait3A_85 = arith.constant 0 : i32
      %dma_wait3A_86 = tpu.memref_slice %arg8[%run_scoped3A_64, %dma_wait3A_85] : memref<40x128xi32, #tpu.memory_space<vmem>> -> memref<1x128xi32, #tpu.memory_space<vmem>>
      %dma_wait3A_87 = tpu.memref_squeeze %dma_wait3A_86 : memref<1x128xi32, #tpu.memory_space<vmem>> -> memref<128xi32, #tpu.memory_space<vmem>>
      %dma_wait3A_88 = arith.constant 0 : i32
      %dma_wait3A_89 = arith.constant 0 : i32
      %dma_wait3A_90 = tpu.memref_slice %arg11[%dma_wait3A_88, %dma_wait3A_89] : memref<10112x128xf32, #tpu.memory_space<vmem_shared>> -> memref<10112x128xf32, #tpu.memory_space<vmem_shared>>
      tpu.wait_indirect_dma semaphore(%run_scoped3A_78 : memref<!tpu.dma_semaphore, #tpu.memory_space<semaphore_mem>>) src(%arg9 : memref<128x128xf32, #tpu.memory_space<vmem>>) dst(%dma_wait3A_90 : memref<10112x128xf32, #tpu.memory_space<vmem_shared>>)
      tpu.yield
    }) : () -> ()
    %dma_wait3A_65 = arith.constant 0 : i32
    %dma_wait3A_66 = arith.constant 0 : i32
    %dma_wait3A_67 = tpu.memref_slice %arg7[%dma_wait3A_65, %dma_wait3A_66] : memref<40x128xi32, #tpu.memory_space<vmem>> -> memref<1x128xi32, #tpu.memory_space<vmem>>
    %dma_wait3A_68 = tpu.memref_squeeze %dma_wait3A_67 : memref<1x128xi32, #tpu.memory_space<vmem>> -> memref<128xi32, #tpu.memory_space<vmem>>
    %dma_wait3A_69 = arith.constant 0 : i32
    %dma_wait3A_70 = arith.constant 0 : i32
    %dma_wait3A_71 = tpu.memref_slice %arg2[%dma_wait3A_69, %dma_wait3A_70] : memref<10000x128xf32, #tpu.memory_space<hbm>> -> memref<10000x128xf32, #tpu.memory_space<hbm>>
    tpu.wait_indirect_dma semaphore(%arg13 : memref<!tpu.dma_semaphore, #tpu.memory_space<semaphore_mem>>) src(%dma_wait3A_71 : memref<10000x128xf32, #tpu.memory_space<hbm>>) dst(%arg10 : memref<128x128xf32, #tpu.memory_space<vmem>>)
    %run_scoped3A_72 = arith.constant 39 : i32
    "tpu.region"() ({
      %run_scoped3A_78 = tpu.sem_alloc : memref<!tpu.dma_semaphore, #tpu.memory_space<semaphore_mem>>
      %dma_start3A_79 = arith.constant 0 : i32
      %dma_start3A_80 = tpu.memref_slice %arg8[%run_scoped3A_72, %dma_start3A_79] : memref<40x128xi32, #tpu.memory_space<vmem>> -> memref<1x128xi32, #tpu.memory_space<vmem>>
      %dma_start3A_81 = tpu.memref_squeeze %dma_start3A_80 : memref<1x128xi32, #tpu.memory_space<vmem>> -> memref<128xi32, #tpu.memory_space<vmem>>
      %dma_start3A_82 = arith.constant 0 : i32
      %dma_start3A_83 = arith.constant 0 : i32
      %dma_start3A_84 = tpu.memref_slice %arg11[%dma_start3A_82, %dma_start3A_83] : memref<10112x128xf32, #tpu.memory_space<vmem_shared>> -> memref<10112x128xf32, #tpu.memory_space<vmem_shared>>
      tpu.enqueue_indirect_dma source(%arg10 : memref<128x128xf32, #tpu.memory_space<vmem>>) target(%dma_start3A_84 : memref<10112x128xf32, #tpu.memory_space<vmem_shared>>) offsets(%dma_start3A_81 : memref<128xi32, #tpu.memory_space<vmem>>) semaphore(%run_scoped3A_78 : memref<!tpu.dma_semaphore, #tpu.memory_space<semaphore_mem>>) {add = true}
      %dma_wait3A_85 = arith.constant 0 : i32
      %dma_wait3A_86 = tpu.memref_slice %arg8[%run_scoped3A_72, %dma_wait3A_85] : memref<40x128xi32, #tpu.memory_space<vmem>> -> memref<1x128xi32, #tpu.memory_space<vmem>>
      %dma_wait3A_87 = tpu.memref_squeeze %dma_wait3A_86 : memref<1x128xi32, #tpu.memory_space<vmem>> -> memref<128xi32, #tpu.memory_space<vmem>>
      %dma_wait3A_88 = arith.constant 0 : i32
      %dma_wait3A_89 = arith.constant 0 : i32
      %dma_wait3A_90 = tpu.memref_slice %arg11[%dma_wait3A_88, %dma_wait3A_89] : memref<10112x128xf32, #tpu.memory_space<vmem_shared>> -> memref<10112x128xf32, #tpu.memory_space<vmem_shared>>
      tpu.wait_indirect_dma semaphore(%run_scoped3A_78 : memref<!tpu.dma_semaphore, #tpu.memory_space<semaphore_mem>>) src(%arg10 : memref<128x128xf32, #tpu.memory_space<vmem>>) dst(%dma_wait3A_90 : memref<10112x128xf32, #tpu.memory_space<vmem_shared>>)
      tpu.yield
    }) : () -> ()
    %barrier3A_73 = arith.constant 0 : index
    tpu.barrier barrier_id(%barrier3A_73)
    %mul3A_74 = arith.constant 632 : i32
    %mul3A_75 = arith.muli %arg1, %mul3A_74 : i32
    %mul3A_76 = arith.constant 632 : i32
    %mul3A_77 = arith.muli %arg1, %mul3A_76 : i32
    "tpu.region"() ({
      %run_scoped3A_78 = tpu.sem_alloc : memref<!tpu.dma_semaphore, #tpu.memory_space<semaphore_mem>>
      %dma_start3A_79 = arith.constant 0 : i32
      %dma_start3A_80 = tpu.memref_slice %arg6[%arg0, %mul3A_77, %dma_start3A_79] : memref<2x10112x128xf32, #tpu.memory_space<hbm>> -> memref<1x632x128xf32, #tpu.memory_space<hbm>>
      %dma_start3A_81 = tpu.memref_squeeze %dma_start3A_80 : memref<1x632x128xf32, #tpu.memory_space<hbm>> -> memref<632x128xf32, #tpu.memory_space<hbm>>
      %dma_start3A_82 = arith.constant 0 : i32
      %dma_start3A_83 = tpu.memref_slice %arg11[%mul3A_75, %dma_start3A_82] : memref<10112x128xf32, #tpu.memory_space<vmem_shared>> -> memref<632x128xf32, #tpu.memory_space<vmem_shared>>
      tpu.enqueue_dma source(%dma_start3A_83 : memref<632x128xf32, #tpu.memory_space<vmem_shared>>) target(%dma_start3A_81 : memref<632x128xf32, #tpu.memory_space<hbm>>) target_semaphore(%run_scoped3A_78 : memref<!tpu.dma_semaphore, #tpu.memory_space<semaphore_mem>>)
      %dma_wait3A_84 = arith.constant 0 : i32
      %dma_wait3A_85 = tpu.memref_slice %arg6[%arg0, %mul3A_77, %dma_wait3A_84] : memref<2x10112x128xf32, #tpu.memory_space<hbm>> -> memref<1x632x128xf32, #tpu.memory_space<hbm>>
      %dma_wait3A_86 = tpu.memref_squeeze %dma_wait3A_85 : memref<1x632x128xf32, #tpu.memory_space<hbm>> -> memref<632x128xf32, #tpu.memory_space<hbm>>
      %dma_wait3A_87 = arith.constant 0 : i32
      %dma_wait3A_88 = tpu.memref_slice %arg11[%mul3A_75, %dma_wait3A_87] : memref<10112x128xf32, #tpu.memory_space<vmem_shared>> -> memref<632x128xf32, #tpu.memory_space<vmem_shared>>
      tpu.wait_dma2 semaphore(%run_scoped3A_78 : memref<!tpu.dma_semaphore, #tpu.memory_space<semaphore_mem>>) src(%dma_wait3A_88 : memref<632x128xf32, #tpu.memory_space<vmem_shared>>) dst(%dma_wait3A_86 : memref<632x128xf32, #tpu.memory_space<hbm>>)
      tpu.yield
    }) : () -> ()
    return
  }
}

#map = affine_map<(d0, d1) -> (0, 0, 0)>
#map1 = affine_map<(d0, d1) -> (0, 0)>
module attributes {stable_mosaic.version = 14 : i64} {
  func.func @deg_k(%arg0: i32, %arg1: i32, %arg2: memref<32x80x128xi32, #tpu.memory_space<hbm>>, %arg3: memref<10112x128xf32, #tpu.memory_space<hbm>>, %arg4: memref<128x128xf32, #tpu.memory_space<hbm>>, %arg5: memref<2x10112x128xf32, #tpu.memory_space<hbm>>, %arg6: memref<40x128xi32, #tpu.memory_space<vmem>>, %arg7: memref<128x128xf32, #tpu.memory_space<vmem>>, %arg8: memref<128x128xf32, #tpu.memory_space<vmem>>, %arg9: memref<10112x128xf32, #tpu.memory_space<vmem_shared>>, %arg10: memref<!tpu.dma_semaphore, #tpu.memory_space<semaphore_mem>>, %arg11: memref<!tpu.dma_semaphore, #tpu.memory_space<semaphore_mem>>) attributes {dimension_semantics = [#tpu.dimension_semantics<core_parallel>, #tpu.dimension_semantics<subcore_parallel>], iteration_bounds = array<i64: 2, 16>, scalar_prefetch = 0 : i64, scratch_operands = 6 : i64, tpu.core_type = #tpu.core_type<sc_vector_subcore>, window_params = [{transform_indices = #map}, {transform_indices = #map1}, {transform_indices = #map1}, {transform_indices = #map}]} {
    %mul3A = arith.constant 2 : i32
    %mul3A_0 = arith.muli %arg1, %mul3A : i32
    %add3A = arith.addi %mul3A_0, %arg0 : i32
    %mul3A_1 = arith.constant 632 : i32
    %mul3A_2 = arith.muli %arg1, %mul3A_1 : i32
    %mul3A_3 = arith.constant 632 : i32
    %mul3A_4 = arith.muli %arg1, %mul3A_3 : i32
    "tpu.region"() ({
      %run_scoped3A = tpu.sem_alloc : memref<!tpu.dma_semaphore, #tpu.memory_space<semaphore_mem>>
      %dma_start3A = arith.constant 0 : i32
      %dma_start3A_21 = tpu.memref_slice %arg9[%mul3A_4, %dma_start3A] : memref<10112x128xf32, #tpu.memory_space<vmem_shared>> -> memref<632x128xf32, #tpu.memory_space<vmem_shared>>
      %dma_start3A_22 = arith.constant 0 : i32
      %dma_start3A_23 = tpu.memref_slice %arg3[%mul3A_2, %dma_start3A_22] : memref<10112x128xf32, #tpu.memory_space<hbm>> -> memref<632x128xf32, #tpu.memory_space<hbm>>
      tpu.enqueue_dma source(%dma_start3A_23 : memref<632x128xf32, #tpu.memory_space<hbm>>) target(%dma_start3A_21 : memref<632x128xf32, #tpu.memory_space<vmem_shared>>) target_semaphore(%run_scoped3A : memref<!tpu.dma_semaphore, #tpu.memory_space<semaphore_mem>>)
      %dma_wait3A = arith.constant 0 : i32
      %dma_wait3A_24 = tpu.memref_slice %arg9[%mul3A_4, %dma_wait3A] : memref<10112x128xf32, #tpu.memory_space<vmem_shared>> -> memref<632x128xf32, #tpu.memory_space<vmem_shared>>
      %dma_wait3A_25 = arith.constant 0 : i32
      %dma_wait3A_26 = tpu.memref_slice %arg3[%mul3A_2, %dma_wait3A_25] : memref<10112x128xf32, #tpu.memory_space<hbm>> -> memref<632x128xf32, #tpu.memory_space<hbm>>
      tpu.wait_dma2 semaphore(%run_scoped3A : memref<!tpu.dma_semaphore, #tpu.memory_space<semaphore_mem>>) src(%dma_wait3A_26 : memref<632x128xf32, #tpu.memory_space<hbm>>) dst(%dma_wait3A_24 : memref<632x128xf32, #tpu.memory_space<vmem_shared>>)
      tpu.yield
    }) : () -> ()
    "tpu.region"() ({
      %run_scoped3A = tpu.sem_alloc : memref<!tpu.dma_semaphore, #tpu.memory_space<semaphore_mem>>
      tpu.enqueue_dma source(%arg4 : memref<128x128xf32, #tpu.memory_space<hbm>>) target(%arg7 : memref<128x128xf32, #tpu.memory_space<vmem>>) target_semaphore(%run_scoped3A : memref<!tpu.dma_semaphore, #tpu.memory_space<semaphore_mem>>)
      tpu.wait_dma2 semaphore(%run_scoped3A : memref<!tpu.dma_semaphore, #tpu.memory_space<semaphore_mem>>) src(%arg4 : memref<128x128xf32, #tpu.memory_space<hbm>>) dst(%arg7 : memref<128x128xf32, #tpu.memory_space<vmem>>)
      tpu.yield
    }) : () -> ()
    "tpu.region"() ({
      %run_scoped3A = tpu.sem_alloc : memref<!tpu.dma_semaphore, #tpu.memory_space<semaphore_mem>>
      tpu.enqueue_dma source(%arg4 : memref<128x128xf32, #tpu.memory_space<hbm>>) target(%arg8 : memref<128x128xf32, #tpu.memory_space<vmem>>) target_semaphore(%run_scoped3A : memref<!tpu.dma_semaphore, #tpu.memory_space<semaphore_mem>>)
      tpu.wait_dma2 semaphore(%run_scoped3A : memref<!tpu.dma_semaphore, #tpu.memory_space<semaphore_mem>>) src(%arg4 : memref<128x128xf32, #tpu.memory_space<hbm>>) dst(%arg8 : memref<128x128xf32, #tpu.memory_space<vmem>>)
      tpu.yield
    }) : () -> ()
    %barrier3A = arith.constant 0 : index
    tpu.barrier barrier_id(%barrier3A)
    "tpu.region"() ({
      %run_scoped3A = tpu.sem_alloc : memref<!tpu.dma_semaphore, #tpu.memory_space<semaphore_mem>>
      %dma_start3A = arith.constant 0 : i32
      %dma_start3A_21 = arith.constant 0 : i32
      %dma_start3A_22 = tpu.memref_slice %arg2[%add3A, %dma_start3A, %dma_start3A_21] : memref<32x80x128xi32, #tpu.memory_space<hbm>> -> memref<1x40x128xi32, #tpu.memory_space<hbm>>
      %dma_start3A_23 = tpu.memref_squeeze %dma_start3A_22 : memref<1x40x128xi32, #tpu.memory_space<hbm>> -> memref<40x128xi32, #tpu.memory_space<hbm>>
      %dma_start3A_24 = arith.constant 0 : i32
      %dma_start3A_25 = arith.constant 0 : i32
      %dma_start3A_26 = tpu.memref_slice %arg2[%add3A, %dma_start3A_24, %dma_start3A_25] : memref<32x80x128xi32, #tpu.memory_space<hbm>> -> memref<1x40x128xi32, #tpu.memory_space<hbm>>
      %dma_start3A_27 = tpu.memref_squeeze %dma_start3A_26 : memref<1x40x128xi32, #tpu.memory_space<hbm>> -> memref<40x128xi32, #tpu.memory_space<hbm>>
      tpu.enqueue_dma source(%dma_start3A_27 : memref<40x128xi32, #tpu.memory_space<hbm>>) target(%arg6 : memref<40x128xi32, #tpu.memory_space<vmem>>) target_semaphore(%run_scoped3A : memref<!tpu.dma_semaphore, #tpu.memory_space<semaphore_mem>>)
      %dma_wait3A = arith.constant 0 : i32
      %dma_wait3A_28 = arith.constant 0 : i32
      %dma_wait3A_29 = tpu.memref_slice %arg2[%add3A, %dma_wait3A, %dma_wait3A_28] : memref<32x80x128xi32, #tpu.memory_space<hbm>> -> memref<1x40x128xi32, #tpu.memory_space<hbm>>
      %dma_wait3A_30 = tpu.memref_squeeze %dma_wait3A_29 : memref<1x40x128xi32, #tpu.memory_space<hbm>> -> memref<40x128xi32, #tpu.memory_space<hbm>>
      %dma_wait3A_31 = arith.constant 0 : i32
      %dma_wait3A_32 = arith.constant 0 : i32
      %dma_wait3A_33 = tpu.memref_slice %arg2[%add3A, %dma_wait3A_31, %dma_wait3A_32] : memref<32x80x128xi32, #tpu.memory_space<hbm>> -> memref<1x40x128xi32, #tpu.memory_space<hbm>>
      %dma_wait3A_34 = tpu.memref_squeeze %dma_wait3A_33 : memref<1x40x128xi32, #tpu.memory_space<hbm>> -> memref<40x128xi32, #tpu.memory_space<hbm>>
      tpu.wait_dma2 semaphore(%run_scoped3A : memref<!tpu.dma_semaphore, #tpu.memory_space<semaphore_mem>>) src(%dma_wait3A_34 : memref<40x128xi32, #tpu.memory_space<hbm>>) dst(%arg6 : memref<40x128xi32, #tpu.memory_space<vmem>>)
      tpu.yield
    }) : () -> ()
    %scan3A = arith.constant 0 : i32
    %scan3A_5 = arith.constant 0 : i32
    %scan3A_6 = arith.constant 20 : i32
    %scan3A_7 = arith.addi %scan3A_5, %scan3A_6 : i32
    %scan3A_8 = arith.constant 1 : i32
    scf.for %scan3A_21 = %scan3A_5 to %scan3A_7 step %scan3A_8  : i32 {
      %mul3A_22 = arith.constant 2 : i32
      %mul3A_23 = arith.muli %mul3A_22, %scan3A_21 : i32
      %dma_start3A = arith.constant 0 : i32
      %dma_start3A_24 = tpu.memref_slice %arg6[%mul3A_23, %dma_start3A] : memref<40x128xi32, #tpu.memory_space<vmem>> -> memref<1x128xi32, #tpu.memory_space<vmem>>
      %dma_start3A_25 = tpu.memref_squeeze %dma_start3A_24 : memref<1x128xi32, #tpu.memory_space<vmem>> -> memref<128xi32, #tpu.memory_space<vmem>>
      %dma_start3A_26 = arith.constant 0 : i32
      %dma_start3A_27 = arith.constant 0 : i32
      %dma_start3A_28 = tpu.memref_slice %arg9[%dma_start3A_26, %dma_start3A_27] : memref<10112x128xf32, #tpu.memory_space<vmem_shared>> -> memref<10112x128xf32, #tpu.memory_space<vmem_shared>>
      tpu.enqueue_indirect_dma source(%arg7 : memref<128x128xf32, #tpu.memory_space<vmem>>) target(%dma_start3A_28 : memref<10112x128xf32, #tpu.memory_space<vmem_shared>>) offsets(%dma_start3A_25 : memref<128xi32, #tpu.memory_space<vmem>>) semaphore(%arg10 : memref<!tpu.dma_semaphore, #tpu.memory_space<semaphore_mem>>) {add = true}
      %add3A_29 = arith.constant 1 : i32
      %add3A_30 = arith.addi %mul3A_23, %add3A_29 : i32
      %dma_start3A_31 = arith.constant 0 : i32
      %dma_start3A_32 = tpu.memref_slice %arg6[%add3A_30, %dma_start3A_31] : memref<40x128xi32, #tpu.memory_space<vmem>> -> memref<1x128xi32, #tpu.memory_space<vmem>>
      %dma_start3A_33 = tpu.memref_squeeze %dma_start3A_32 : memref<1x128xi32, #tpu.memory_space<vmem>> -> memref<128xi32, #tpu.memory_space<vmem>>
      %dma_start3A_34 = arith.constant 0 : i32
      %dma_start3A_35 = arith.constant 0 : i32
      %dma_start3A_36 = tpu.memref_slice %arg9[%dma_start3A_34, %dma_start3A_35] : memref<10112x128xf32, #tpu.memory_space<vmem_shared>> -> memref<10112x128xf32, #tpu.memory_space<vmem_shared>>
      tpu.enqueue_indirect_dma source(%arg8 : memref<128x128xf32, #tpu.memory_space<vmem>>) target(%dma_start3A_36 : memref<10112x128xf32, #tpu.memory_space<vmem_shared>>) offsets(%dma_start3A_33 : memref<128xi32, #tpu.memory_space<vmem>>) semaphore(%arg11 : memref<!tpu.dma_semaphore, #tpu.memory_space<semaphore_mem>>) {add = true}
      %dma_wait3A = arith.constant 0 : i32
      %dma_wait3A_37 = tpu.memref_slice %arg6[%mul3A_23, %dma_wait3A] : memref<40x128xi32, #tpu.memory_space<vmem>> -> memref<1x128xi32, #tpu.memory_space<vmem>>
      %dma_wait3A_38 = tpu.memref_squeeze %dma_wait3A_37 : memref<1x128xi32, #tpu.memory_space<vmem>> -> memref<128xi32, #tpu.memory_space<vmem>>
      %dma_wait3A_39 = arith.constant 0 : i32
      %dma_wait3A_40 = arith.constant 0 : i32
      %dma_wait3A_41 = tpu.memref_slice %arg9[%dma_wait3A_39, %dma_wait3A_40] : memref<10112x128xf32, #tpu.memory_space<vmem_shared>> -> memref<10112x128xf32, #tpu.memory_space<vmem_shared>>
      tpu.wait_indirect_dma semaphore(%arg10 : memref<!tpu.dma_semaphore, #tpu.memory_space<semaphore_mem>>) src(%arg7 : memref<128x128xf32, #tpu.memory_space<vmem>>) dst(%dma_wait3A_41 : memref<10112x128xf32, #tpu.memory_space<vmem_shared>>)
      %dma_wait3A_42 = arith.constant 0 : i32
      %dma_wait3A_43 = tpu.memref_slice %arg6[%add3A_30, %dma_wait3A_42] : memref<40x128xi32, #tpu.memory_space<vmem>> -> memref<1x128xi32, #tpu.memory_space<vmem>>
      %dma_wait3A_44 = tpu.memref_squeeze %dma_wait3A_43 : memref<1x128xi32, #tpu.memory_space<vmem>> -> memref<128xi32, #tpu.memory_space<vmem>>
      %dma_wait3A_45 = arith.constant 0 : i32
      %dma_wait3A_46 = arith.constant 0 : i32
      %dma_wait3A_47 = tpu.memref_slice %arg9[%dma_wait3A_45, %dma_wait3A_46] : memref<10112x128xf32, #tpu.memory_space<vmem_shared>> -> memref<10112x128xf32, #tpu.memory_space<vmem_shared>>
      tpu.wait_indirect_dma semaphore(%arg11 : memref<!tpu.dma_semaphore, #tpu.memory_space<semaphore_mem>>) src(%arg8 : memref<128x128xf32, #tpu.memory_space<vmem>>) dst(%dma_wait3A_47 : memref<10112x128xf32, #tpu.memory_space<vmem_shared>>)
    }
    %scan3A_9 = arith.constant 20 : i32
    "tpu.region"() ({
      %run_scoped3A = tpu.sem_alloc : memref<!tpu.dma_semaphore, #tpu.memory_space<semaphore_mem>>
      %dma_start3A = arith.constant 40 : i32
      %dma_start3A_21 = arith.constant 0 : i32
      %dma_start3A_22 = tpu.memref_slice %arg2[%add3A, %dma_start3A, %dma_start3A_21] : memref<32x80x128xi32, #tpu.memory_space<hbm>> -> memref<1x40x128xi32, #tpu.memory_space<hbm>>
      %dma_start3A_23 = tpu.memref_squeeze %dma_start3A_22 : memref<1x40x128xi32, #tpu.memory_space<hbm>> -> memref<40x128xi32, #tpu.memory_space<hbm>>
      %dma_start3A_24 = arith.constant 40 : i32
      %dma_start3A_25 = arith.constant 0 : i32
      %dma_start3A_26 = tpu.memref_slice %arg2[%add3A, %dma_start3A_24, %dma_start3A_25] : memref<32x80x128xi32, #tpu.memory_space<hbm>> -> memref<1x40x128xi32, #tpu.memory_space<hbm>>
      %dma_start3A_27 = tpu.memref_squeeze %dma_start3A_26 : memref<1x40x128xi32, #tpu.memory_space<hbm>> -> memref<40x128xi32, #tpu.memory_space<hbm>>
      tpu.enqueue_dma source(%dma_start3A_27 : memref<40x128xi32, #tpu.memory_space<hbm>>) target(%arg6 : memref<40x128xi32, #tpu.memory_space<vmem>>) target_semaphore(%run_scoped3A : memref<!tpu.dma_semaphore, #tpu.memory_space<semaphore_mem>>)
      %dma_wait3A = arith.constant 40 : i32
      %dma_wait3A_28 = arith.constant 0 : i32
      %dma_wait3A_29 = tpu.memref_slice %arg2[%add3A, %dma_wait3A, %dma_wait3A_28] : memref<32x80x128xi32, #tpu.memory_space<hbm>> -> memref<1x40x128xi32, #tpu.memory_space<hbm>>
      %dma_wait3A_30 = tpu.memref_squeeze %dma_wait3A_29 : memref<1x40x128xi32, #tpu.memory_space<hbm>> -> memref<40x128xi32, #tpu.memory_space<hbm>>
      %dma_wait3A_31 = arith.constant 40 : i32
      %dma_wait3A_32 = arith.constant 0 : i32
      %dma_wait3A_33 = tpu.memref_slice %arg2[%add3A, %dma_wait3A_31, %dma_wait3A_32] : memref<32x80x128xi32, #tpu.memory_space<hbm>> -> memref<1x40x128xi32, #tpu.memory_space<hbm>>
      %dma_wait3A_34 = tpu.memref_squeeze %dma_wait3A_33 : memref<1x40x128xi32, #tpu.memory_space<hbm>> -> memref<40x128xi32, #tpu.memory_space<hbm>>
      tpu.wait_dma2 semaphore(%run_scoped3A : memref<!tpu.dma_semaphore, #tpu.memory_space<semaphore_mem>>) src(%dma_wait3A_34 : memref<40x128xi32, #tpu.memory_space<hbm>>) dst(%arg6 : memref<40x128xi32, #tpu.memory_space<vmem>>)
      tpu.yield
    }) : () -> ()
    %scan3A_10 = arith.constant 0 : i32
    %scan3A_11 = arith.constant 0 : i32
    %scan3A_12 = arith.constant 20 : i32
    %scan3A_13 = arith.addi %scan3A_11, %scan3A_12 : i32
    %scan3A_14 = arith.constant 1 : i32
    scf.for %scan3A_21 = %scan3A_11 to %scan3A_13 step %scan3A_14  : i32 {
      %mul3A_22 = arith.constant 2 : i32
      %mul3A_23 = arith.muli %mul3A_22, %scan3A_21 : i32
      %dma_start3A = arith.constant 0 : i32
      %dma_start3A_24 = tpu.memref_slice %arg6[%mul3A_23, %dma_start3A] : memref<40x128xi32, #tpu.memory_space<vmem>> -> memref<1x128xi32, #tpu.memory_space<vmem>>
      %dma_start3A_25 = tpu.memref_squeeze %dma_start3A_24 : memref<1x128xi32, #tpu.memory_space<vmem>> -> memref<128xi32, #tpu.memory_space<vmem>>
      %dma_start3A_26 = arith.constant 0 : i32
      %dma_start3A_27 = arith.constant 0 : i32
      %dma_start3A_28 = tpu.memref_slice %arg9[%dma_start3A_26, %dma_start3A_27] : memref<10112x128xf32, #tpu.memory_space<vmem_shared>> -> memref<10112x128xf32, #tpu.memory_space<vmem_shared>>
      tpu.enqueue_indirect_dma source(%arg7 : memref<128x128xf32, #tpu.memory_space<vmem>>) target(%dma_start3A_28 : memref<10112x128xf32, #tpu.memory_space<vmem_shared>>) offsets(%dma_start3A_25 : memref<128xi32, #tpu.memory_space<vmem>>) semaphore(%arg10 : memref<!tpu.dma_semaphore, #tpu.memory_space<semaphore_mem>>) {add = true}
      %add3A_29 = arith.constant 1 : i32
      %add3A_30 = arith.addi %mul3A_23, %add3A_29 : i32
      %dma_start3A_31 = arith.constant 0 : i32
      %dma_start3A_32 = tpu.memref_slice %arg6[%add3A_30, %dma_start3A_31] : memref<40x128xi32, #tpu.memory_space<vmem>> -> memref<1x128xi32, #tpu.memory_space<vmem>>
      %dma_start3A_33 = tpu.memref_squeeze %dma_start3A_32 : memref<1x128xi32, #tpu.memory_space<vmem>> -> memref<128xi32, #tpu.memory_space<vmem>>
      %dma_start3A_34 = arith.constant 0 : i32
      %dma_start3A_35 = arith.constant 0 : i32
      %dma_start3A_36 = tpu.memref_slice %arg9[%dma_start3A_34, %dma_start3A_35] : memref<10112x128xf32, #tpu.memory_space<vmem_shared>> -> memref<10112x128xf32, #tpu.memory_space<vmem_shared>>
      tpu.enqueue_indirect_dma source(%arg8 : memref<128x128xf32, #tpu.memory_space<vmem>>) target(%dma_start3A_36 : memref<10112x128xf32, #tpu.memory_space<vmem_shared>>) offsets(%dma_start3A_33 : memref<128xi32, #tpu.memory_space<vmem>>) semaphore(%arg11 : memref<!tpu.dma_semaphore, #tpu.memory_space<semaphore_mem>>) {add = true}
      %dma_wait3A = arith.constant 0 : i32
      %dma_wait3A_37 = tpu.memref_slice %arg6[%mul3A_23, %dma_wait3A] : memref<40x128xi32, #tpu.memory_space<vmem>> -> memref<1x128xi32, #tpu.memory_space<vmem>>
      %dma_wait3A_38 = tpu.memref_squeeze %dma_wait3A_37 : memref<1x128xi32, #tpu.memory_space<vmem>> -> memref<128xi32, #tpu.memory_space<vmem>>
      %dma_wait3A_39 = arith.constant 0 : i32
      %dma_wait3A_40 = arith.constant 0 : i32
      %dma_wait3A_41 = tpu.memref_slice %arg9[%dma_wait3A_39, %dma_wait3A_40] : memref<10112x128xf32, #tpu.memory_space<vmem_shared>> -> memref<10112x128xf32, #tpu.memory_space<vmem_shared>>
      tpu.wait_indirect_dma semaphore(%arg10 : memref<!tpu.dma_semaphore, #tpu.memory_space<semaphore_mem>>) src(%arg7 : memref<128x128xf32, #tpu.memory_space<vmem>>) dst(%dma_wait3A_41 : memref<10112x128xf32, #tpu.memory_space<vmem_shared>>)
      %dma_wait3A_42 = arith.constant 0 : i32
      %dma_wait3A_43 = tpu.memref_slice %arg6[%add3A_30, %dma_wait3A_42] : memref<40x128xi32, #tpu.memory_space<vmem>> -> memref<1x128xi32, #tpu.memory_space<vmem>>
      %dma_wait3A_44 = tpu.memref_squeeze %dma_wait3A_43 : memref<1x128xi32, #tpu.memory_space<vmem>> -> memref<128xi32, #tpu.memory_space<vmem>>
      %dma_wait3A_45 = arith.constant 0 : i32
      %dma_wait3A_46 = arith.constant 0 : i32
      %dma_wait3A_47 = tpu.memref_slice %arg9[%dma_wait3A_45, %dma_wait3A_46] : memref<10112x128xf32, #tpu.memory_space<vmem_shared>> -> memref<10112x128xf32, #tpu.memory_space<vmem_shared>>
      tpu.wait_indirect_dma semaphore(%arg11 : memref<!tpu.dma_semaphore, #tpu.memory_space<semaphore_mem>>) src(%arg8 : memref<128x128xf32, #tpu.memory_space<vmem>>) dst(%dma_wait3A_47 : memref<10112x128xf32, #tpu.memory_space<vmem_shared>>)
    }
    %scan3A_15 = arith.constant 20 : i32
    %barrier3A_16 = arith.constant 0 : index
    tpu.barrier barrier_id(%barrier3A_16)
    %mul3A_17 = arith.constant 632 : i32
    %mul3A_18 = arith.muli %arg1, %mul3A_17 : i32
    %mul3A_19 = arith.constant 632 : i32
    %mul3A_20 = arith.muli %arg1, %mul3A_19 : i32
    "tpu.region"() ({
      %run_scoped3A = tpu.sem_alloc : memref<!tpu.dma_semaphore, #tpu.memory_space<semaphore_mem>>
      %dma_start3A = arith.constant 0 : i32
      %dma_start3A_21 = tpu.memref_slice %arg5[%arg0, %mul3A_20, %dma_start3A] : memref<2x10112x128xf32, #tpu.memory_space<hbm>> -> memref<1x632x128xf32, #tpu.memory_space<hbm>>
      %dma_start3A_22 = tpu.memref_squeeze %dma_start3A_21 : memref<1x632x128xf32, #tpu.memory_space<hbm>> -> memref<632x128xf32, #tpu.memory_space<hbm>>
      %dma_start3A_23 = arith.constant 0 : i32
      %dma_start3A_24 = tpu.memref_slice %arg9[%mul3A_18, %dma_start3A_23] : memref<10112x128xf32, #tpu.memory_space<vmem_shared>> -> memref<632x128xf32, #tpu.memory_space<vmem_shared>>
      tpu.enqueue_dma source(%dma_start3A_24 : memref<632x128xf32, #tpu.memory_space<vmem_shared>>) target(%dma_start3A_22 : memref<632x128xf32, #tpu.memory_space<hbm>>) target_semaphore(%run_scoped3A : memref<!tpu.dma_semaphore, #tpu.memory_space<semaphore_mem>>)
      %dma_wait3A = arith.constant 0 : i32
      %dma_wait3A_25 = tpu.memref_slice %arg5[%arg0, %mul3A_20, %dma_wait3A] : memref<2x10112x128xf32, #tpu.memory_space<hbm>> -> memref<1x632x128xf32, #tpu.memory_space<hbm>>
      %dma_wait3A_26 = tpu.memref_squeeze %dma_wait3A_25 : memref<1x632x128xf32, #tpu.memory_space<hbm>> -> memref<632x128xf32, #tpu.memory_space<hbm>>
      %dma_wait3A_27 = arith.constant 0 : i32
      %dma_wait3A_28 = tpu.memref_slice %arg9[%mul3A_18, %dma_wait3A_27] : memref<10112x128xf32, #tpu.memory_space<vmem_shared>> -> memref<632x128xf32, #tpu.memory_space<vmem_shared>>
      tpu.wait_dma2 semaphore(%run_scoped3A : memref<!tpu.dma_semaphore, #tpu.memory_space<semaphore_mem>>) src(%dma_wait3A_28 : memref<632x128xf32, #tpu.memory_space<vmem_shared>>) dst(%dma_wait3A_26 : memref<632x128xf32, #tpu.memory_space<hbm>>)
      tpu.yield
    }) : () -> ()
    return
  }
}

#map = affine_map<(d0, d1) -> (0, 0)>
#map1 = affine_map<(d0, d1) -> (0, 0, 0)>
module attributes {stable_mosaic.version = 14 : i64} {
  func.func @scat_k(%arg0: i32, %arg1: i32, %arg2: memref<10000x128xf32, #tpu.memory_space<hbm>>, %arg3: memref<32x80x128xi32, #tpu.memory_space<hbm>>, %arg4: memref<32x80x128xi32, #tpu.memory_space<hbm>>, %arg5: memref<10112x128xf32, #tpu.memory_space<hbm>>, %arg6: memref<2x10112x128xf32, #tpu.memory_space<hbm>>, %arg7: memref<40x128xi32, #tpu.memory_space<vmem>>, %arg8: memref<40x128xi32, #tpu.memory_space<vmem>>, %arg9: memref<128x128xf32, #tpu.memory_space<vmem>>, %arg10: memref<128x128xf32, #tpu.memory_space<vmem>>, %arg11: memref<10112x128xf32, #tpu.memory_space<vmem_shared>>, %arg12: memref<!tpu.dma_semaphore, #tpu.memory_space<semaphore_mem>>, %arg13: memref<!tpu.dma_semaphore, #tpu.memory_space<semaphore_mem>>) attributes {dimension_semantics = [#tpu.dimension_semantics<core_parallel>, #tpu.dimension_semantics<subcore_parallel>], iteration_bounds = array<i64: 2, 16>, scalar_prefetch = 0 : i64, scratch_operands = 7 : i64, tpu.core_type = #tpu.core_type<sc_vector_subcore>, window_params = [{transform_indices = #map}, {transform_indices = #map1}, {transform_indices = #map1}, {transform_indices = #map}, {transform_indices = #map1}]} {
    %mul3A = arith.constant 2 : i32
    %mul3A_0 = arith.muli %arg1, %mul3A : i32
    %add3A = arith.addi %mul3A_0, %arg0 : i32
    %mul3A_1 = arith.constant 632 : i32
    %mul3A_2 = arith.muli %arg1, %mul3A_1 : i32
    %mul3A_3 = arith.constant 632 : i32
    %mul3A_4 = arith.muli %arg1, %mul3A_3 : i32
    "tpu.region"() ({
      %run_scoped3A_78 = tpu.sem_alloc : memref<!tpu.dma_semaphore, #tpu.memory_space<semaphore_mem>>
      %dma_start3A_79 = arith.constant 0 : i32
      %dma_start3A_80 = tpu.memref_slice %arg11[%mul3A_4, %dma_start3A_79] : memref<10112x128xf32, #tpu.memory_space<vmem_shared>> -> memref<632x128xf32, #tpu.memory_space<vmem_shared>>
      %dma_start3A_81 = arith.constant 0 : i32
      %dma_start3A_82 = tpu.memref_slice %arg5[%mul3A_2, %dma_start3A_81] : memref<10112x128xf32, #tpu.memory_space<hbm>> -> memref<632x128xf32, #tpu.memory_space<hbm>>
      tpu.enqueue_dma source(%dma_start3A_82 : memref<632x128xf32, #tpu.memory_space<hbm>>) target(%dma_start3A_80 : memref<632x128xf32, #tpu.memory_space<vmem_shared>>) target_semaphore(%run_scoped3A_78 : memref<!tpu.dma_semaphore, #tpu.memory_space<semaphore_mem>>)
      %dma_wait3A_83 = arith.constant 0 : i32
      %dma_wait3A_84 = tpu.memref_slice %arg11[%mul3A_4, %dma_wait3A_83] : memref<10112x128xf32, #tpu.memory_space<vmem_shared>> -> memref<632x128xf32, #tpu.memory_space<vmem_shared>>
      %dma_wait3A_85 = arith.constant 0 : i32
      %dma_wait3A_86 = tpu.memref_slice %arg5[%mul3A_2, %dma_wait3A_85] : memref<10112x128xf32, #tpu.memory_space<hbm>> -> memref<632x128xf32, #tpu.memory_space<hbm>>
      tpu.wait_dma2 semaphore(%run_scoped3A_78 : memref<!tpu.dma_semaphore, #tpu.memory_space<semaphore_mem>>) src(%dma_wait3A_86 : memref<632x128xf32, #tpu.memory_space<hbm>>) dst(%dma_wait3A_84 : memref<632x128xf32, #tpu.memory_space<vmem_shared>>)
      tpu.yield
    }) : () -> ()
    %barrier3A = arith.constant 0 : index
    tpu.barrier barrier_id(%barrier3A)
    "tpu.region"() ({
      %run_scoped3A_78 = tpu.sem_alloc : memref<!tpu.dma_semaphore, #tpu.memory_space<semaphore_mem>>
      %dma_start3A_79 = arith.constant 0 : i32
      %dma_start3A_80 = arith.constant 0 : i32
      %dma_start3A_81 = tpu.memref_slice %arg3[%add3A, %dma_start3A_79, %dma_start3A_80] : memref<32x80x128xi32, #tpu.memory_space<hbm>> -> memref<1x40x128xi32, #tpu.memory_space<hbm>>
      %dma_start3A_82 = tpu.memref_squeeze %dma_start3A_81 : memref<1x40x128xi32, #tpu.memory_space<hbm>> -> memref<40x128xi32, #tpu.memory_space<hbm>>
      %dma_start3A_83 = arith.constant 0 : i32
      %dma_start3A_84 = arith.constant 0 : i32
      %dma_start3A_85 = tpu.memref_slice %arg3[%add3A, %dma_start3A_83, %dma_start3A_84] : memref<32x80x128xi32, #tpu.memory_space<hbm>> -> memref<1x40x128xi32, #tpu.memory_space<hbm>>
      %dma_start3A_86 = tpu.memref_squeeze %dma_start3A_85 : memref<1x40x128xi32, #tpu.memory_space<hbm>> -> memref<40x128xi32, #tpu.memory_space<hbm>>
      tpu.enqueue_dma source(%dma_start3A_86 : memref<40x128xi32, #tpu.memory_space<hbm>>) target(%arg7 : memref<40x128xi32, #tpu.memory_space<vmem>>) target_semaphore(%run_scoped3A_78 : memref<!tpu.dma_semaphore, #tpu.memory_space<semaphore_mem>>)
      %dma_wait3A_87 = arith.constant 0 : i32
      %dma_wait3A_88 = arith.constant 0 : i32
      %dma_wait3A_89 = tpu.memref_slice %arg3[%add3A, %dma_wait3A_87, %dma_wait3A_88] : memref<32x80x128xi32, #tpu.memory_space<hbm>> -> memref<1x40x128xi32, #tpu.memory_space<hbm>>
      %dma_wait3A_90 = tpu.memref_squeeze %dma_wait3A_89 : memref<1x40x128xi32, #tpu.memory_space<hbm>> -> memref<40x128xi32, #tpu.memory_space<hbm>>
      %dma_wait3A_91 = arith.constant 0 : i32
      %dma_wait3A_92 = arith.constant 0 : i32
      %dma_wait3A_93 = tpu.memref_slice %arg3[%add3A, %dma_wait3A_91, %dma_wait3A_92] : memref<32x80x128xi32, #tpu.memory_space<hbm>> -> memref<1x40x128xi32, #tpu.memory_space<hbm>>
      %dma_wait3A_94 = tpu.memref_squeeze %dma_wait3A_93 : memref<1x40x128xi32, #tpu.memory_space<hbm>> -> memref<40x128xi32, #tpu.memory_space<hbm>>
      tpu.wait_dma2 semaphore(%run_scoped3A_78 : memref<!tpu.dma_semaphore, #tpu.memory_space<semaphore_mem>>) src(%dma_wait3A_94 : memref<40x128xi32, #tpu.memory_space<hbm>>) dst(%arg7 : memref<40x128xi32, #tpu.memory_space<vmem>>)
      tpu.yield
    }) : () -> ()
    "tpu.region"() ({
      %run_scoped3A_78 = tpu.sem_alloc : memref<!tpu.dma_semaphore, #tpu.memory_space<semaphore_mem>>
      %dma_start3A_79 = arith.constant 0 : i32
      %dma_start3A_80 = arith.constant 0 : i32
      %dma_start3A_81 = tpu.memref_slice %arg4[%add3A, %dma_start3A_79, %dma_start3A_80] : memref<32x80x128xi32, #tpu.memory_space<hbm>> -> memref<1x40x128xi32, #tpu.memory_space<hbm>>
      %dma_start3A_82 = tpu.memref_squeeze %dma_start3A_81 : memref<1x40x128xi32, #tpu.memory_space<hbm>> -> memref<40x128xi32, #tpu.memory_space<hbm>>
      %dma_start3A_83 = arith.constant 0 : i32
      %dma_start3A_84 = arith.constant 0 : i32
      %dma_start3A_85 = tpu.memref_slice %arg4[%add3A, %dma_start3A_83, %dma_start3A_84] : memref<32x80x128xi32, #tpu.memory_space<hbm>> -> memref<1x40x128xi32, #tpu.memory_space<hbm>>
      %dma_start3A_86 = tpu.memref_squeeze %dma_start3A_85 : memref<1x40x128xi32, #tpu.memory_space<hbm>> -> memref<40x128xi32, #tpu.memory_space<hbm>>
      tpu.enqueue_dma source(%dma_start3A_86 : memref<40x128xi32, #tpu.memory_space<hbm>>) target(%arg8 : memref<40x128xi32, #tpu.memory_space<vmem>>) target_semaphore(%run_scoped3A_78 : memref<!tpu.dma_semaphore, #tpu.memory_space<semaphore_mem>>)
      %dma_wait3A_87 = arith.constant 0 : i32
      %dma_wait3A_88 = arith.constant 0 : i32
      %dma_wait3A_89 = tpu.memref_slice %arg4[%add3A, %dma_wait3A_87, %dma_wait3A_88] : memref<32x80x128xi32, #tpu.memory_space<hbm>> -> memref<1x40x128xi32, #tpu.memory_space<hbm>>
      %dma_wait3A_90 = tpu.memref_squeeze %dma_wait3A_89 : memref<1x40x128xi32, #tpu.memory_space<hbm>> -> memref<40x128xi32, #tpu.memory_space<hbm>>
      %dma_wait3A_91 = arith.constant 0 : i32
      %dma_wait3A_92 = arith.constant 0 : i32
      %dma_wait3A_93 = tpu.memref_slice %arg4[%add3A, %dma_wait3A_91, %dma_wait3A_92] : memref<32x80x128xi32, #tpu.memory_space<hbm>> -> memref<1x40x128xi32, #tpu.memory_space<hbm>>
      %dma_wait3A_94 = tpu.memref_squeeze %dma_wait3A_93 : memref<1x40x128xi32, #tpu.memory_space<hbm>> -> memref<40x128xi32, #tpu.memory_space<hbm>>
      tpu.wait_dma2 semaphore(%run_scoped3A_78 : memref<!tpu.dma_semaphore, #tpu.memory_space<semaphore_mem>>) src(%dma_wait3A_94 : memref<40x128xi32, #tpu.memory_space<hbm>>) dst(%arg8 : memref<40x128xi32, #tpu.memory_space<vmem>>)
      tpu.yield
    }) : () -> ()
    %dma_start3A = arith.constant 0 : i32
    %dma_start3A_5 = arith.constant 0 : i32
    %dma_start3A_6 = tpu.memref_slice %arg7[%dma_start3A, %dma_start3A_5] : memref<40x128xi32, #tpu.memory_space<vmem>> -> memref<1x128xi32, #tpu.memory_space<vmem>>
    %dma_start3A_7 = tpu.memref_squeeze %dma_start3A_6 : memref<1x128xi32, #tpu.memory_space<vmem>> -> memref<128xi32, #tpu.memory_space<vmem>>
    %dma_start3A_8 = arith.constant 0 : i32
    %dma_start3A_9 = arith.constant 0 : i32
    %dma_start3A_10 = tpu.memref_slice %arg2[%dma_start3A_8, %dma_start3A_9] : memref<10000x128xf32, #tpu.memory_space<hbm>> -> memref<10000x128xf32, #tpu.memory_space<hbm>>
    tpu.enqueue_indirect_dma source(%dma_start3A_10 : memref<10000x128xf32, #tpu.memory_space<hbm>>) target(%arg9 : memref<128x128xf32, #tpu.memory_space<vmem>>) offsets(%dma_start3A_7 : memref<128xi32, #tpu.memory_space<vmem>>) semaphore(%arg12 : memref<!tpu.dma_semaphore, #tpu.memory_space<semaphore_mem>>)
    %dma_start3A_11 = arith.constant 1 : i32
    %dma_start3A_12 = arith.constant 0 : i32
    %dma_start3A_13 = tpu.memref_slice %arg7[%dma_start3A_11, %dma_start3A_12] : memref<40x128xi32, #tpu.memory_space<vmem>> -> memref<1x128xi32, #tpu.memory_space<vmem>>
    %dma_start3A_14 = tpu.memref_squeeze %dma_start3A_13 : memref<1x128xi32, #tpu.memory_space<vmem>> -> memref<128xi32, #tpu.memory_space<vmem>>
    %dma_start3A_15 = arith.constant 0 : i32
    %dma_start3A_16 = arith.constant 0 : i32
    %dma_start3A_17 = tpu.memref_slice %arg2[%dma_start3A_15, %dma_start3A_16] : memref<10000x128xf32, #tpu.memory_space<hbm>> -> memref<10000x128xf32, #tpu.memory_space<hbm>>
    tpu.enqueue_indirect_dma source(%dma_start3A_17 : memref<10000x128xf32, #tpu.memory_space<hbm>>) target(%arg10 : memref<128x128xf32, #tpu.memory_space<vmem>>) offsets(%dma_start3A_14 : memref<128xi32, #tpu.memory_space<vmem>>) semaphore(%arg13 : memref<!tpu.dma_semaphore, #tpu.memory_space<semaphore_mem>>)
    %scan3A = arith.constant 0 : i32
    %scan3A_18 = arith.constant 0 : i32
    %scan3A_19 = arith.constant 19 : i32
    %scan3A_20 = arith.addi %scan3A_18, %scan3A_19 : i32
    %scan3A_21 = arith.constant 1 : i32
    scf.for %scan3A_78 = %scan3A_18 to %scan3A_20 step %scan3A_21  : i32 {
      %mul3A_79 = arith.constant 2 : i32
      %mul3A_80 = arith.muli %mul3A_79, %scan3A_78 : i32
      %dma_wait3A_81 = arith.constant 0 : i32
      %dma_wait3A_82 = arith.constant 0 : i32
      %dma_wait3A_83 = tpu.memref_slice %arg7[%dma_wait3A_81, %dma_wait3A_82] : memref<40x128xi32, #tpu.memory_space<vmem>> -> memref<1x128xi32, #tpu.memory_space<vmem>>
      %dma_wait3A_84 = tpu.memref_squeeze %dma_wait3A_83 : memref<1x128xi32, #tpu.memory_space<vmem>> -> memref<128xi32, #tpu.memory_space<vmem>>
      %dma_wait3A_85 = arith.constant 0 : i32
      %dma_wait3A_86 = arith.constant 0 : i32
      %dma_wait3A_87 = tpu.memref_slice %arg2[%dma_wait3A_85, %dma_wait3A_86] : memref<10000x128xf32, #tpu.memory_space<hbm>> -> memref<10000x128xf32, #tpu.memory_space<hbm>>
      tpu.wait_indirect_dma semaphore(%arg12 : memref<!tpu.dma_semaphore, #tpu.memory_space<semaphore_mem>>) src(%dma_wait3A_87 : memref<10000x128xf32, #tpu.memory_space<hbm>>) dst(%arg9 : memref<128x128xf32, #tpu.memory_space<vmem>>)
      "tpu.region"() ({
        %run_scoped3A_113 = tpu.sem_alloc : memref<!tpu.dma_semaphore, #tpu.memory_space<semaphore_mem>>
        %dma_start3A_114 = arith.constant 0 : i32
        %dma_start3A_115 = tpu.memref_slice %arg8[%mul3A_80, %dma_start3A_114] : memref<40x128xi32, #tpu.memory_space<vmem>> -> memref<1x128xi32, #tpu.memory_space<vmem>>
        %dma_start3A_116 = tpu.memref_squeeze %dma_start3A_115 : memref<1x128xi32, #tpu.memory_space<vmem>> -> memref<128xi32, #tpu.memory_space<vmem>>
        %dma_start3A_117 = arith.constant 0 : i32
        %dma_start3A_118 = arith.constant 0 : i32
        %dma_start3A_119 = tpu.memref_slice %arg11[%dma_start3A_117, %dma_start3A_118] : memref<10112x128xf32, #tpu.memory_space<vmem_shared>> -> memref<10112x128xf32, #tpu.memory_space<vmem_shared>>
        tpu.enqueue_indirect_dma source(%arg9 : memref<128x128xf32, #tpu.memory_space<vmem>>) target(%dma_start3A_119 : memref<10112x128xf32, #tpu.memory_space<vmem_shared>>) offsets(%dma_start3A_116 : memref<128xi32, #tpu.memory_space<vmem>>) semaphore(%run_scoped3A_113 : memref<!tpu.dma_semaphore, #tpu.memory_space<semaphore_mem>>) {add = true}
        %dma_wait3A_120 = arith.constant 0 : i32
        %dma_wait3A_121 = tpu.memref_slice %arg8[%mul3A_80, %dma_wait3A_120] : memref<40x128xi32, #tpu.memory_space<vmem>> -> memref<1x128xi32, #tpu.memory_space<vmem>>
        %dma_wait3A_122 = tpu.memref_squeeze %dma_wait3A_121 : memref<1x128xi32, #tpu.memory_space<vmem>> -> memref<128xi32, #tpu.memory_space<vmem>>
        %dma_wait3A_123 = arith.constant 0 : i32
        %dma_wait3A_124 = arith.constant 0 : i32
        %dma_wait3A_125 = tpu.memref_slice %arg11[%dma_wait3A_123, %dma_wait3A_124] : memref<10112x128xf32, #tpu.memory_space<vmem_shared>> -> memref<10112x128xf32, #tpu.memory_space<vmem_shared>>
        tpu.wait_indirect_dma semaphore(%run_scoped3A_113 : memref<!tpu.dma_semaphore, #tpu.memory_space<semaphore_mem>>) src(%arg9 : memref<128x128xf32, #tpu.memory_space<vmem>>) dst(%dma_wait3A_125 : memref<10112x128xf32, #tpu.memory_space<vmem_shared>>)
        tpu.yield
      }) : () -> ()
      %add3A_88 = arith.constant 2 : i32
      %add3A_89 = arith.addi %mul3A_80, %add3A_88 : i32
      %dma_start3A_90 = arith.constant 0 : i32
      %dma_start3A_91 = tpu.memref_slice %arg7[%add3A_89, %dma_start3A_90] : memref<40x128xi32, #tpu.memory_space<vmem>> -> memref<1x128xi32, #tpu.memory_space<vmem>>
      %dma_start3A_92 = tpu.memref_squeeze %dma_start3A_91 : memref<1x128xi32, #tpu.memory_space<vmem>> -> memref<128xi32, #tpu.memory_space<vmem>>
      %dma_start3A_93 = arith.constant 0 : i32
      %dma_start3A_94 = arith.constant 0 : i32
      %dma_start3A_95 = tpu.memref_slice %arg2[%dma_start3A_93, %dma_start3A_94] : memref<10000x128xf32, #tpu.memory_space<hbm>> -> memref<10000x128xf32, #tpu.memory_space<hbm>>
      tpu.enqueue_indirect_dma source(%dma_start3A_95 : memref<10000x128xf32, #tpu.memory_space<hbm>>) target(%arg9 : memref<128x128xf32, #tpu.memory_space<vmem>>) offsets(%dma_start3A_92 : memref<128xi32, #tpu.memory_space<vmem>>) semaphore(%arg12 : memref<!tpu.dma_semaphore, #tpu.memory_space<semaphore_mem>>)
      %dma_wait3A_96 = arith.constant 0 : i32
      %dma_wait3A_97 = arith.constant 0 : i32
      %dma_wait3A_98 = tpu.memref_slice %arg7[%dma_wait3A_96, %dma_wait3A_97] : memref<40x128xi32, #tpu.memory_space<vmem>> -> memref<1x128xi32, #tpu.memory_space<vmem>>
      %dma_wait3A_99 = tpu.memref_squeeze %dma_wait3A_98 : memref<1x128xi32, #tpu.memory_space<vmem>> -> memref<128xi32, #tpu.memory_space<vmem>>
      %dma_wait3A_100 = arith.constant 0 : i32
      %dma_wait3A_101 = arith.constant 0 : i32
      %dma_wait3A_102 = tpu.memref_slice %arg2[%dma_wait3A_100, %dma_wait3A_101] : memref<10000x128xf32, #tpu.memory_space<hbm>> -> memref<10000x128xf32, #tpu.memory_space<hbm>>
      tpu.wait_indirect_dma semaphore(%arg13 : memref<!tpu.dma_semaphore, #tpu.memory_space<semaphore_mem>>) src(%dma_wait3A_102 : memref<10000x128xf32, #tpu.memory_space<hbm>>) dst(%arg10 : memref<128x128xf32, #tpu.memory_space<vmem>>)
      %add3A_103 = arith.constant 1 : i32
      %add3A_104 = arith.addi %mul3A_80, %add3A_103 : i32
      "tpu.region"() ({
        %run_scoped3A_113 = tpu.sem_alloc : memref<!tpu.dma_semaphore, #tpu.memory_space<semaphore_mem>>
        %dma_start3A_114 = arith.constant 0 : i32
        %dma_start3A_115 = tpu.memref_slice %arg8[%add3A_104, %dma_start3A_114] : memref<40x128xi32, #tpu.memory_space<vmem>> -> memref<1x128xi32, #tpu.memory_space<vmem>>
        %dma_start3A_116 = tpu.memref_squeeze %dma_start3A_115 : memref<1x128xi32, #tpu.memory_space<vmem>> -> memref<128xi32, #tpu.memory_space<vmem>>
        %dma_start3A_117 = arith.constant 0 : i32
        %dma_start3A_118 = arith.constant 0 : i32
        %dma_start3A_119 = tpu.memref_slice %arg11[%dma_start3A_117, %dma_start3A_118] : memref<10112x128xf32, #tpu.memory_space<vmem_shared>> -> memref<10112x128xf32, #tpu.memory_space<vmem_shared>>
        tpu.enqueue_indirect_dma source(%arg10 : memref<128x128xf32, #tpu.memory_space<vmem>>) target(%dma_start3A_119 : memref<10112x128xf32, #tpu.memory_space<vmem_shared>>) offsets(%dma_start3A_116 : memref<128xi32, #tpu.memory_space<vmem>>) semaphore(%run_scoped3A_113 : memref<!tpu.dma_semaphore, #tpu.memory_space<semaphore_mem>>) {add = true}
        %dma_wait3A_120 = arith.constant 0 : i32
        %dma_wait3A_121 = tpu.memref_slice %arg8[%add3A_104, %dma_wait3A_120] : memref<40x128xi32, #tpu.memory_space<vmem>> -> memref<1x128xi32, #tpu.memory_space<vmem>>
        %dma_wait3A_122 = tpu.memref_squeeze %dma_wait3A_121 : memref<1x128xi32, #tpu.memory_space<vmem>> -> memref<128xi32, #tpu.memory_space<vmem>>
        %dma_wait3A_123 = arith.constant 0 : i32
        %dma_wait3A_124 = arith.constant 0 : i32
        %dma_wait3A_125 = tpu.memref_slice %arg11[%dma_wait3A_123, %dma_wait3A_124] : memref<10112x128xf32, #tpu.memory_space<vmem_shared>> -> memref<10112x128xf32, #tpu.memory_space<vmem_shared>>
        tpu.wait_indirect_dma semaphore(%run_scoped3A_113 : memref<!tpu.dma_semaphore, #tpu.memory_space<semaphore_mem>>) src(%arg10 : memref<128x128xf32, #tpu.memory_space<vmem>>) dst(%dma_wait3A_125 : memref<10112x128xf32, #tpu.memory_space<vmem_shared>>)
        tpu.yield
      }) : () -> ()
      %add3A_105 = arith.constant 3 : i32
      %add3A_106 = arith.addi %mul3A_80, %add3A_105 : i32
      %dma_start3A_107 = arith.constant 0 : i32
      %dma_start3A_108 = tpu.memref_slice %arg7[%add3A_106, %dma_start3A_107] : memref<40x128xi32, #tpu.memory_space<vmem>> -> memref<1x128xi32, #tpu.memory_space<vmem>>
      %dma_start3A_109 = tpu.memref_squeeze %dma_start3A_108 : memref<1x128xi32, #tpu.memory_space<vmem>> -> memref<128xi32, #tpu.memory_space<vmem>>
      %dma_start3A_110 = arith.constant 0 : i32
      %dma_start3A_111 = arith.constant 0 : i32
      %dma_start3A_112 = tpu.memref_slice %arg2[%dma_start3A_110, %dma_start3A_111] : memref<10000x128xf32, #tpu.memory_space<hbm>> -> memref<10000x128xf32, #tpu.memory_space<hbm>>
      tpu.enqueue_indirect_dma source(%dma_start3A_112 : memref<10000x128xf32, #tpu.memory_space<hbm>>) target(%arg10 : memref<128x128xf32, #tpu.memory_space<vmem>>) offsets(%dma_start3A_109 : memref<128xi32, #tpu.memory_space<vmem>>) semaphore(%arg13 : memref<!tpu.dma_semaphore, #tpu.memory_space<semaphore_mem>>)
    }
    %scan3A_22 = arith.constant 19 : i32
    %dma_wait3A = arith.constant 0 : i32
    %dma_wait3A_23 = arith.constant 0 : i32
    %dma_wait3A_24 = tpu.memref_slice %arg7[%dma_wait3A, %dma_wait3A_23] : memref<40x128xi32, #tpu.memory_space<vmem>> -> memref<1x128xi32, #tpu.memory_space<vmem>>
    %dma_wait3A_25 = tpu.memref_squeeze %dma_wait3A_24 : memref<1x128xi32, #tpu.memory_space<vmem>> -> memref<128xi32, #tpu.memory_space<vmem>>
    %dma_wait3A_26 = arith.constant 0 : i32
    %dma_wait3A_27 = arith.constant 0 : i32
    %dma_wait3A_28 = tpu.memref_slice %arg2[%dma_wait3A_26, %dma_wait3A_27] : memref<10000x128xf32, #tpu.memory_space<hbm>> -> memref<10000x128xf32, #tpu.memory_space<hbm>>
    tpu.wait_indirect_dma semaphore(%arg12 : memref<!tpu.dma_semaphore, #tpu.memory_space<semaphore_mem>>) src(%dma_wait3A_28 : memref<10000x128xf32, #tpu.memory_space<hbm>>) dst(%arg9 : memref<128x128xf32, #tpu.memory_space<vmem>>)
    %run_scoped3A = arith.constant 38 : i32
    "tpu.region"() ({
      %run_scoped3A_78 = tpu.sem_alloc : memref<!tpu.dma_semaphore, #tpu.memory_space<semaphore_mem>>
      %dma_start3A_79 = arith.constant 0 : i32
      %dma_start3A_80 = tpu.memref_slice %arg8[%run_scoped3A, %dma_start3A_79] : memref<40x128xi32, #tpu.memory_space<vmem>> -> memref<1x128xi32, #tpu.memory_space<vmem>>
      %dma_start3A_81 = tpu.memref_squeeze %dma_start3A_80 : memref<1x128xi32, #tpu.memory_space<vmem>> -> memref<128xi32, #tpu.memory_space<vmem>>
      %dma_start3A_82 = arith.constant 0 : i32
      %dma_start3A_83 = arith.constant 0 : i32
      %dma_start3A_84 = tpu.memref_slice %arg11[%dma_start3A_82, %dma_start3A_83] : memref<10112x128xf32, #tpu.memory_space<vmem_shared>> -> memref<10112x128xf32, #tpu.memory_space<vmem_shared>>
      tpu.enqueue_indirect_dma source(%arg9 : memref<128x128xf32, #tpu.memory_space<vmem>>) target(%dma_start3A_84 : memref<10112x128xf32, #tpu.memory_space<vmem_shared>>) offsets(%dma_start3A_81 : memref<128xi32, #tpu.memory_space<vmem>>) semaphore(%run_scoped3A_78 : memref<!tpu.dma_semaphore, #tpu.memory_space<semaphore_mem>>) {add = true}
      %dma_wait3A_85 = arith.constant 0 : i32
      %dma_wait3A_86 = tpu.memref_slice %arg8[%run_scoped3A, %dma_wait3A_85] : memref<40x128xi32, #tpu.memory_space<vmem>> -> memref<1x128xi32, #tpu.memory_space<vmem>>
      %dma_wait3A_87 = tpu.memref_squeeze %dma_wait3A_86 : memref<1x128xi32, #tpu.memory_space<vmem>> -> memref<128xi32, #tpu.memory_space<vmem>>
      %dma_wait3A_88 = arith.constant 0 : i32
      %dma_wait3A_89 = arith.constant 0 : i32
      %dma_wait3A_90 = tpu.memref_slice %arg11[%dma_wait3A_88, %dma_wait3A_89] : memref<10112x128xf32, #tpu.memory_space<vmem_shared>> -> memref<10112x128xf32, #tpu.memory_space<vmem_shared>>
      tpu.wait_indirect_dma semaphore(%run_scoped3A_78 : memref<!tpu.dma_semaphore, #tpu.memory_space<semaphore_mem>>) src(%arg9 : memref<128x128xf32, #tpu.memory_space<vmem>>) dst(%dma_wait3A_90 : memref<10112x128xf32, #tpu.memory_space<vmem_shared>>)
      tpu.yield
    }) : () -> ()
    %dma_wait3A_29 = arith.constant 0 : i32
    %dma_wait3A_30 = arith.constant 0 : i32
    %dma_wait3A_31 = tpu.memref_slice %arg7[%dma_wait3A_29, %dma_wait3A_30] : memref<40x128xi32, #tpu.memory_space<vmem>> -> memref<1x128xi32, #tpu.memory_space<vmem>>
    %dma_wait3A_32 = tpu.memref_squeeze %dma_wait3A_31 : memref<1x128xi32, #tpu.memory_space<vmem>> -> memref<128xi32, #tpu.memory_space<vmem>>
    %dma_wait3A_33 = arith.constant 0 : i32
    %dma_wait3A_34 = arith.constant 0 : i32
    %dma_wait3A_35 = tpu.memref_slice %arg2[%dma_wait3A_33, %dma_wait3A_34] : memref<10000x128xf32, #tpu.memory_space<hbm>> -> memref<10000x128xf32, #tpu.memory_space<hbm>>
    tpu.wait_indirect_dma semaphore(%arg13 : memref<!tpu.dma_semaphore, #tpu.memory_space<semaphore_mem>>) src(%dma_wait3A_35 : memref<10000x128xf32, #tpu.memory_space<hbm>>) dst(%arg10 : memref<128x128xf32, #tpu.memory_space<vmem>>)
    %run_scoped3A_36 = arith.constant 39 : i32
    "tpu.region"() ({
      %run_scoped3A_78 = tpu.sem_alloc : memref<!tpu.dma_semaphore, #tpu.memory_space<semaphore_mem>>
      %dma_start3A_79 = arith.constant 0 : i32
      %dma_start3A_80 = tpu.memref_slice %arg8[%run_scoped3A_36, %dma_start3A_79] : memref<40x128xi32, #tpu.memory_space<vmem>> -> memref<1x128xi32, #tpu.memory_space<vmem>>
      %dma_start3A_81 = tpu.memref_squeeze %dma_start3A_80 : memref<1x128xi32, #tpu.memory_space<vmem>> -> memref<128xi32, #tpu.memory_space<vmem>>
      %dma_start3A_82 = arith.constant 0 : i32
      %dma_start3A_83 = arith.constant 0 : i32
      %dma_start3A_84 = tpu.memref_slice %arg11[%dma_start3A_82, %dma_start3A_83] : memref<10112x128xf32, #tpu.memory_space<vmem_shared>> -> memref<10112x128xf32, #tpu.memory_space<vmem_shared>>
      tpu.enqueue_indirect_dma source(%arg10 : memref<128x128xf32, #tpu.memory_space<vmem>>) target(%dma_start3A_84 : memref<10112x128xf32, #tpu.memory_space<vmem_shared>>) offsets(%dma_start3A_81 : memref<128xi32, #tpu.memory_space<vmem>>) semaphore(%run_scoped3A_78 : memref<!tpu.dma_semaphore, #tpu.memory_space<semaphore_mem>>) {add = true}
      %dma_wait3A_85 = arith.constant 0 : i32
      %dma_wait3A_86 = tpu.memref_slice %arg8[%run_scoped3A_36, %dma_wait3A_85] : memref<40x128xi32, #tpu.memory_space<vmem>> -> memref<1x128xi32, #tpu.memory_space<vmem>>
      %dma_wait3A_87 = tpu.memref_squeeze %dma_wait3A_86 : memref<1x128xi32, #tpu.memory_space<vmem>> -> memref<128xi32, #tpu.memory_space<vmem>>
      %dma_wait3A_88 = arith.constant 0 : i32
      %dma_wait3A_89 = arith.constant 0 : i32
      %dma_wait3A_90 = tpu.memref_slice %arg11[%dma_wait3A_88, %dma_wait3A_89] : memref<10112x128xf32, #tpu.memory_space<vmem_shared>> -> memref<10112x128xf32, #tpu.memory_space<vmem_shared>>
      tpu.wait_indirect_dma semaphore(%run_scoped3A_78 : memref<!tpu.dma_semaphore, #tpu.memory_space<semaphore_mem>>) src(%arg10 : memref<128x128xf32, #tpu.memory_space<vmem>>) dst(%dma_wait3A_90 : memref<10112x128xf32, #tpu.memory_space<vmem_shared>>)
      tpu.yield
    }) : () -> ()
    "tpu.region"() ({
      %run_scoped3A_78 = tpu.sem_alloc : memref<!tpu.dma_semaphore, #tpu.memory_space<semaphore_mem>>
      %dma_start3A_79 = arith.constant 40 : i32
      %dma_start3A_80 = arith.constant 0 : i32
      %dma_start3A_81 = tpu.memref_slice %arg3[%add3A, %dma_start3A_79, %dma_start3A_80] : memref<32x80x128xi32, #tpu.memory_space<hbm>> -> memref<1x40x128xi32, #tpu.memory_space<hbm>>
      %dma_start3A_82 = tpu.memref_squeeze %dma_start3A_81 : memref<1x40x128xi32, #tpu.memory_space<hbm>> -> memref<40x128xi32, #tpu.memory_space<hbm>>
      %dma_start3A_83 = arith.constant 40 : i32
      %dma_start3A_84 = arith.constant 0 : i32
      %dma_start3A_85 = tpu.memref_slice %arg3[%add3A, %dma_start3A_83, %dma_start3A_84] : memref<32x80x128xi32, #tpu.memory_space<hbm>> -> memref<1x40x128xi32, #tpu.memory_space<hbm>>
      %dma_start3A_86 = tpu.memref_squeeze %dma_start3A_85 : memref<1x40x128xi32, #tpu.memory_space<hbm>> -> memref<40x128xi32, #tpu.memory_space<hbm>>
      tpu.enqueue_dma source(%dma_start3A_86 : memref<40x128xi32, #tpu.memory_space<hbm>>) target(%arg7 : memref<40x128xi32, #tpu.memory_space<vmem>>) target_semaphore(%run_scoped3A_78 : memref<!tpu.dma_semaphore, #tpu.memory_space<semaphore_mem>>)
      %dma_wait3A_87 = arith.constant 40 : i32
      %dma_wait3A_88 = arith.constant 0 : i32
      %dma_wait3A_89 = tpu.memref_slice %arg3[%add3A, %dma_wait3A_87, %dma_wait3A_88] : memref<32x80x128xi32, #tpu.memory_space<hbm>> -> memref<1x40x128xi32, #tpu.memory_space<hbm>>
      %dma_wait3A_90 = tpu.memref_squeeze %dma_wait3A_89 : memref<1x40x128xi32, #tpu.memory_space<hbm>> -> memref<40x128xi32, #tpu.memory_space<hbm>>
      %dma_wait3A_91 = arith.constant 40 : i32
      %dma_wait3A_92 = arith.constant 0 : i32
      %dma_wait3A_93 = tpu.memref_slice %arg3[%add3A, %dma_wait3A_91, %dma_wait3A_92] : memref<32x80x128xi32, #tpu.memory_space<hbm>> -> memref<1x40x128xi32, #tpu.memory_space<hbm>>
      %dma_wait3A_94 = tpu.memref_squeeze %dma_wait3A_93 : memref<1x40x128xi32, #tpu.memory_space<hbm>> -> memref<40x128xi32, #tpu.memory_space<hbm>>
      tpu.wait_dma2 semaphore(%run_scoped3A_78 : memref<!tpu.dma_semaphore, #tpu.memory_space<semaphore_mem>>) src(%dma_wait3A_94 : memref<40x128xi32, #tpu.memory_space<hbm>>) dst(%arg7 : memref<40x128xi32, #tpu.memory_space<vmem>>)
      tpu.yield
    }) : () -> ()
    "tpu.region"() ({
      %run_scoped3A_78 = tpu.sem_alloc : memref<!tpu.dma_semaphore, #tpu.memory_space<semaphore_mem>>
      %dma_start3A_79 = arith.constant 40 : i32
      %dma_start3A_80 = arith.constant 0 : i32
      %dma_start3A_81 = tpu.memref_slice %arg4[%add3A, %dma_start3A_79, %dma_start3A_80] : memref<32x80x128xi32, #tpu.memory_space<hbm>> -> memref<1x40x128xi32, #tpu.memory_space<hbm>>
      %dma_start3A_82 = tpu.memref_squeeze %dma_start3A_81 : memref<1x40x128xi32, #tpu.memory_space<hbm>> -> memref<40x128xi32, #tpu.memory_space<hbm>>
      %dma_start3A_83 = arith.constant 40 : i32
      %dma_start3A_84 = arith.constant 0 : i32
      %dma_start3A_85 = tpu.memref_slice %arg4[%add3A, %dma_start3A_83, %dma_start3A_84] : memref<32x80x128xi32, #tpu.memory_space<hbm>> -> memref<1x40x128xi32, #tpu.memory_space<hbm>>
      %dma_start3A_86 = tpu.memref_squeeze %dma_start3A_85 : memref<1x40x128xi32, #tpu.memory_space<hbm>> -> memref<40x128xi32, #tpu.memory_space<hbm>>
      tpu.enqueue_dma source(%dma_start3A_86 : memref<40x128xi32, #tpu.memory_space<hbm>>) target(%arg8 : memref<40x128xi32, #tpu.memory_space<vmem>>) target_semaphore(%run_scoped3A_78 : memref<!tpu.dma_semaphore, #tpu.memory_space<semaphore_mem>>)
      %dma_wait3A_87 = arith.constant 40 : i32
      %dma_wait3A_88 = arith.constant 0 : i32
      %dma_wait3A_89 = tpu.memref_slice %arg4[%add3A, %dma_wait3A_87, %dma_wait3A_88] : memref<32x80x128xi32, #tpu.memory_space<hbm>> -> memref<1x40x128xi32, #tpu.memory_space<hbm>>
      %dma_wait3A_90 = tpu.memref_squeeze %dma_wait3A_89 : memref<1x40x128xi32, #tpu.memory_space<hbm>> -> memref<40x128xi32, #tpu.memory_space<hbm>>
      %dma_wait3A_91 = arith.constant 40 : i32
      %dma_wait3A_92 = arith.constant 0 : i32
      %dma_wait3A_93 = tpu.memref_slice %arg4[%add3A, %dma_wait3A_91, %dma_wait3A_92] : memref<32x80x128xi32, #tpu.memory_space<hbm>> -> memref<1x40x128xi32, #tpu.memory_space<hbm>>
      %dma_wait3A_94 = tpu.memref_squeeze %dma_wait3A_93 : memref<1x40x128xi32, #tpu.memory_space<hbm>> -> memref<40x128xi32, #tpu.memory_space<hbm>>
      tpu.wait_dma2 semaphore(%run_scoped3A_78 : memref<!tpu.dma_semaphore, #tpu.memory_space<semaphore_mem>>) src(%dma_wait3A_94 : memref<40x128xi32, #tpu.memory_space<hbm>>) dst(%arg8 : memref<40x128xi32, #tpu.memory_space<vmem>>)
      tpu.yield
    }) : () -> ()
    %dma_start3A_37 = arith.constant 0 : i32
    %dma_start3A_38 = arith.constant 0 : i32
    %dma_start3A_39 = tpu.memref_slice %arg7[%dma_start3A_37, %dma_start3A_38] : memref<40x128xi32, #tpu.memory_space<vmem>> -> memref<1x128xi32, #tpu.memory_space<vmem>>
    %dma_start3A_40 = tpu.memref_squeeze %dma_start3A_39 : memref<1x128xi32, #tpu.memory_space<vmem>> -> memref<128xi32, #tpu.memory_space<vmem>>
    %dma_start3A_41 = arith.constant 0 : i32
    %dma_start3A_42 = arith.constant 0 : i32
    %dma_start3A_43 = tpu.memref_slice %arg2[%dma_start3A_41, %dma_start3A_42] : memref<10000x128xf32, #tpu.memory_space<hbm>> -> memref<10000x128xf32, #tpu.memory_space<hbm>>
    tpu.enqueue_indirect_dma source(%dma_start3A_43 : memref<10000x128xf32, #tpu.memory_space<hbm>>) target(%arg9 : memref<128x128xf32, #tpu.memory_space<vmem>>) offsets(%dma_start3A_40 : memref<128xi32, #tpu.memory_space<vmem>>) semaphore(%arg12 : memref<!tpu.dma_semaphore, #tpu.memory_space<semaphore_mem>>)
    %dma_start3A_44 = arith.constant 1 : i32
    %dma_start3A_45 = arith.constant 0 : i32
    %dma_start3A_46 = tpu.memref_slice %arg7[%dma_start3A_44, %dma_start3A_45] : memref<40x128xi32, #tpu.memory_space<vmem>> -> memref<1x128xi32, #tpu.memory_space<vmem>>
    %dma_start3A_47 = tpu.memref_squeeze %dma_start3A_46 : memref<1x128xi32, #tpu.memory_space<vmem>> -> memref<128xi32, #tpu.memory_space<vmem>>
    %dma_start3A_48 = arith.constant 0 : i32
    %dma_start3A_49 = arith.constant 0 : i32
    %dma_start3A_50 = tpu.memref_slice %arg2[%dma_start3A_48, %dma_start3A_49] : memref<10000x128xf32, #tpu.memory_space<hbm>> -> memref<10000x128xf32, #tpu.memory_space<hbm>>
    tpu.enqueue_indirect_dma source(%dma_start3A_50 : memref<10000x128xf32, #tpu.memory_space<hbm>>) target(%arg10 : memref<128x128xf32, #tpu.memory_space<vmem>>) offsets(%dma_start3A_47 : memref<128xi32, #tpu.memory_space<vmem>>) semaphore(%arg13 : memref<!tpu.dma_semaphore, #tpu.memory_space<semaphore_mem>>)
    %scan3A_51 = arith.constant 0 : i32
    %scan3A_52 = arith.constant 0 : i32
    %scan3A_53 = arith.constant 19 : i32
    %scan3A_54 = arith.addi %scan3A_52, %scan3A_53 : i32
    %scan3A_55 = arith.constant 1 : i32
    scf.for %scan3A_78 = %scan3A_52 to %scan3A_54 step %scan3A_55  : i32 {
      %mul3A_79 = arith.constant 2 : i32
      %mul3A_80 = arith.muli %mul3A_79, %scan3A_78 : i32
      %dma_wait3A_81 = arith.constant 0 : i32
      %dma_wait3A_82 = arith.constant 0 : i32
      %dma_wait3A_83 = tpu.memref_slice %arg7[%dma_wait3A_81, %dma_wait3A_82] : memref<40x128xi32, #tpu.memory_space<vmem>> -> memref<1x128xi32, #tpu.memory_space<vmem>>
      %dma_wait3A_84 = tpu.memref_squeeze %dma_wait3A_83 : memref<1x128xi32, #tpu.memory_space<vmem>> -> memref<128xi32, #tpu.memory_space<vmem>>
      %dma_wait3A_85 = arith.constant 0 : i32
      %dma_wait3A_86 = arith.constant 0 : i32
      %dma_wait3A_87 = tpu.memref_slice %arg2[%dma_wait3A_85, %dma_wait3A_86] : memref<10000x128xf32, #tpu.memory_space<hbm>> -> memref<10000x128xf32, #tpu.memory_space<hbm>>
      tpu.wait_indirect_dma semaphore(%arg12 : memref<!tpu.dma_semaphore, #tpu.memory_space<semaphore_mem>>) src(%dma_wait3A_87 : memref<10000x128xf32, #tpu.memory_space<hbm>>) dst(%arg9 : memref<128x128xf32, #tpu.memory_space<vmem>>)
      "tpu.region"() ({
        %run_scoped3A_113 = tpu.sem_alloc : memref<!tpu.dma_semaphore, #tpu.memory_space<semaphore_mem>>
        %dma_start3A_114 = arith.constant 0 : i32
        %dma_start3A_115 = tpu.memref_slice %arg8[%mul3A_80, %dma_start3A_114] : memref<40x128xi32, #tpu.memory_space<vmem>> -> memref<1x128xi32, #tpu.memory_space<vmem>>
        %dma_start3A_116 = tpu.memref_squeeze %dma_start3A_115 : memref<1x128xi32, #tpu.memory_space<vmem>> -> memref<128xi32, #tpu.memory_space<vmem>>
        %dma_start3A_117 = arith.constant 0 : i32
        %dma_start3A_118 = arith.constant 0 : i32
        %dma_start3A_119 = tpu.memref_slice %arg11[%dma_start3A_117, %dma_start3A_118] : memref<10112x128xf32, #tpu.memory_space<vmem_shared>> -> memref<10112x128xf32, #tpu.memory_space<vmem_shared>>
        tpu.enqueue_indirect_dma source(%arg9 : memref<128x128xf32, #tpu.memory_space<vmem>>) target(%dma_start3A_119 : memref<10112x128xf32, #tpu.memory_space<vmem_shared>>) offsets(%dma_start3A_116 : memref<128xi32, #tpu.memory_space<vmem>>) semaphore(%run_scoped3A_113 : memref<!tpu.dma_semaphore, #tpu.memory_space<semaphore_mem>>) {add = true}
        %dma_wait3A_120 = arith.constant 0 : i32
        %dma_wait3A_121 = tpu.memref_slice %arg8[%mul3A_80, %dma_wait3A_120] : memref<40x128xi32, #tpu.memory_space<vmem>> -> memref<1x128xi32, #tpu.memory_space<vmem>>
        %dma_wait3A_122 = tpu.memref_squeeze %dma_wait3A_121 : memref<1x128xi32, #tpu.memory_space<vmem>> -> memref<128xi32, #tpu.memory_space<vmem>>
        %dma_wait3A_123 = arith.constant 0 : i32
        %dma_wait3A_124 = arith.constant 0 : i32
        %dma_wait3A_125 = tpu.memref_slice %arg11[%dma_wait3A_123, %dma_wait3A_124] : memref<10112x128xf32, #tpu.memory_space<vmem_shared>> -> memref<10112x128xf32, #tpu.memory_space<vmem_shared>>
        tpu.wait_indirect_dma semaphore(%run_scoped3A_113 : memref<!tpu.dma_semaphore, #tpu.memory_space<semaphore_mem>>) src(%arg9 : memref<128x128xf32, #tpu.memory_space<vmem>>) dst(%dma_wait3A_125 : memref<10112x128xf32, #tpu.memory_space<vmem_shared>>)
        tpu.yield
      }) : () -> ()
      %add3A_88 = arith.constant 2 : i32
      %add3A_89 = arith.addi %mul3A_80, %add3A_88 : i32
      %dma_start3A_90 = arith.constant 0 : i32
      %dma_start3A_91 = tpu.memref_slice %arg7[%add3A_89, %dma_start3A_90] : memref<40x128xi32, #tpu.memory_space<vmem>> -> memref<1x128xi32, #tpu.memory_space<vmem>>
      %dma_start3A_92 = tpu.memref_squeeze %dma_start3A_91 : memref<1x128xi32, #tpu.memory_space<vmem>> -> memref<128xi32, #tpu.memory_space<vmem>>
      %dma_start3A_93 = arith.constant 0 : i32
      %dma_start3A_94 = arith.constant 0 : i32
      %dma_start3A_95 = tpu.memref_slice %arg2[%dma_start3A_93, %dma_start3A_94] : memref<10000x128xf32, #tpu.memory_space<hbm>> -> memref<10000x128xf32, #tpu.memory_space<hbm>>
      tpu.enqueue_indirect_dma source(%dma_start3A_95 : memref<10000x128xf32, #tpu.memory_space<hbm>>) target(%arg9 : memref<128x128xf32, #tpu.memory_space<vmem>>) offsets(%dma_start3A_92 : memref<128xi32, #tpu.memory_space<vmem>>) semaphore(%arg12 : memref<!tpu.dma_semaphore, #tpu.memory_space<semaphore_mem>>)
      %dma_wait3A_96 = arith.constant 0 : i32
      %dma_wait3A_97 = arith.constant 0 : i32
      %dma_wait3A_98 = tpu.memref_slice %arg7[%dma_wait3A_96, %dma_wait3A_97] : memref<40x128xi32, #tpu.memory_space<vmem>> -> memref<1x128xi32, #tpu.memory_space<vmem>>
      %dma_wait3A_99 = tpu.memref_squeeze %dma_wait3A_98 : memref<1x128xi32, #tpu.memory_space<vmem>> -> memref<128xi32, #tpu.memory_space<vmem>>
      %dma_wait3A_100 = arith.constant 0 : i32
      %dma_wait3A_101 = arith.constant 0 : i32
      %dma_wait3A_102 = tpu.memref_slice %arg2[%dma_wait3A_100, %dma_wait3A_101] : memref<10000x128xf32, #tpu.memory_space<hbm>> -> memref<10000x128xf32, #tpu.memory_space<hbm>>
      tpu.wait_indirect_dma semaphore(%arg13 : memref<!tpu.dma_semaphore, #tpu.memory_space<semaphore_mem>>) src(%dma_wait3A_102 : memref<10000x128xf32, #tpu.memory_space<hbm>>) dst(%arg10 : memref<128x128xf32, #tpu.memory_space<vmem>>)
      %add3A_103 = arith.constant 1 : i32
      %add3A_104 = arith.addi %mul3A_80, %add3A_103 : i32
      "tpu.region"() ({
        %run_scoped3A_113 = tpu.sem_alloc : memref<!tpu.dma_semaphore, #tpu.memory_space<semaphore_mem>>
        %dma_start3A_114 = arith.constant 0 : i32
        %dma_start3A_115 = tpu.memref_slice %arg8[%add3A_104, %dma_start3A_114] : memref<40x128xi32, #tpu.memory_space<vmem>> -> memref<1x128xi32, #tpu.memory_space<vmem>>
        %dma_start3A_116 = tpu.memref_squeeze %dma_start3A_115 : memref<1x128xi32, #tpu.memory_space<vmem>> -> memref<128xi32, #tpu.memory_space<vmem>>
        %dma_start3A_117 = arith.constant 0 : i32
        %dma_start3A_118 = arith.constant 0 : i32
        %dma_start3A_119 = tpu.memref_slice %arg11[%dma_start3A_117, %dma_start3A_118] : memref<10112x128xf32, #tpu.memory_space<vmem_shared>> -> memref<10112x128xf32, #tpu.memory_space<vmem_shared>>
        tpu.enqueue_indirect_dma source(%arg10 : memref<128x128xf32, #tpu.memory_space<vmem>>) target(%dma_start3A_119 : memref<10112x128xf32, #tpu.memory_space<vmem_shared>>) offsets(%dma_start3A_116 : memref<128xi32, #tpu.memory_space<vmem>>) semaphore(%run_scoped3A_113 : memref<!tpu.dma_semaphore, #tpu.memory_space<semaphore_mem>>) {add = true}
        %dma_wait3A_120 = arith.constant 0 : i32
        %dma_wait3A_121 = tpu.memref_slice %arg8[%add3A_104, %dma_wait3A_120] : memref<40x128xi32, #tpu.memory_space<vmem>> -> memref<1x128xi32, #tpu.memory_space<vmem>>
        %dma_wait3A_122 = tpu.memref_squeeze %dma_wait3A_121 : memref<1x128xi32, #tpu.memory_space<vmem>> -> memref<128xi32, #tpu.memory_space<vmem>>
        %dma_wait3A_123 = arith.constant 0 : i32
        %dma_wait3A_124 = arith.constant 0 : i32
        %dma_wait3A_125 = tpu.memref_slice %arg11[%dma_wait3A_123, %dma_wait3A_124] : memref<10112x128xf32, #tpu.memory_space<vmem_shared>> -> memref<10112x128xf32, #tpu.memory_space<vmem_shared>>
        tpu.wait_indirect_dma semaphore(%run_scoped3A_113 : memref<!tpu.dma_semaphore, #tpu.memory_space<semaphore_mem>>) src(%arg10 : memref<128x128xf32, #tpu.memory_space<vmem>>) dst(%dma_wait3A_125 : memref<10112x128xf32, #tpu.memory_space<vmem_shared>>)
        tpu.yield
      }) : () -> ()
      %add3A_105 = arith.constant 3 : i32
      %add3A_106 = arith.addi %mul3A_80, %add3A_105 : i32
      %dma_start3A_107 = arith.constant 0 : i32
      %dma_start3A_108 = tpu.memref_slice %arg7[%add3A_106, %dma_start3A_107] : memref<40x128xi32, #tpu.memory_space<vmem>> -> memref<1x128xi32, #tpu.memory_space<vmem>>
      %dma_start3A_109 = tpu.memref_squeeze %dma_start3A_108 : memref<1x128xi32, #tpu.memory_space<vmem>> -> memref<128xi32, #tpu.memory_space<vmem>>
      %dma_start3A_110 = arith.constant 0 : i32
      %dma_start3A_111 = arith.constant 0 : i32
      %dma_start3A_112 = tpu.memref_slice %arg2[%dma_start3A_110, %dma_start3A_111] : memref<10000x128xf32, #tpu.memory_space<hbm>> -> memref<10000x128xf32, #tpu.memory_space<hbm>>
      tpu.enqueue_indirect_dma source(%dma_start3A_112 : memref<10000x128xf32, #tpu.memory_space<hbm>>) target(%arg10 : memref<128x128xf32, #tpu.memory_space<vmem>>) offsets(%dma_start3A_109 : memref<128xi32, #tpu.memory_space<vmem>>) semaphore(%arg13 : memref<!tpu.dma_semaphore, #tpu.memory_space<semaphore_mem>>)
    }
    %scan3A_56 = arith.constant 19 : i32
    %dma_wait3A_57 = arith.constant 0 : i32
    %dma_wait3A_58 = arith.constant 0 : i32
    %dma_wait3A_59 = tpu.memref_slice %arg7[%dma_wait3A_57, %dma_wait3A_58] : memref<40x128xi32, #tpu.memory_space<vmem>> -> memref<1x128xi32, #tpu.memory_space<vmem>>
    %dma_wait3A_60 = tpu.memref_squeeze %dma_wait3A_59 : memref<1x128xi32, #tpu.memory_space<vmem>> -> memref<128xi32, #tpu.memory_space<vmem>>
    %dma_wait3A_61 = arith.constant 0 : i32
    %dma_wait3A_62 = arith.constant 0 : i32
    %dma_wait3A_63 = tpu.memref_slice %arg2[%dma_wait3A_61, %dma_wait3A_62] : memref<10000x128xf32, #tpu.memory_space<hbm>> -> memref<10000x128xf32, #tpu.memory_space<hbm>>
    tpu.wait_indirect_dma semaphore(%arg12 : memref<!tpu.dma_semaphore, #tpu.memory_space<semaphore_mem>>) src(%dma_wait3A_63 : memref<10000x128xf32, #tpu.memory_space<hbm>>) dst(%arg9 : memref<128x128xf32, #tpu.memory_space<vmem>>)
    %run_scoped3A_64 = arith.constant 38 : i32
    "tpu.region"() ({
      %run_scoped3A_78 = tpu.sem_alloc : memref<!tpu.dma_semaphore, #tpu.memory_space<semaphore_mem>>
      %dma_start3A_79 = arith.constant 0 : i32
      %dma_start3A_80 = tpu.memref_slice %arg8[%run_scoped3A_64, %dma_start3A_79] : memref<40x128xi32, #tpu.memory_space<vmem>> -> memref<1x128xi32, #tpu.memory_space<vmem>>
      %dma_start3A_81 = tpu.memref_squeeze %dma_start3A_80 : memref<1x128xi32, #tpu.memory_space<vmem>> -> memref<128xi32, #tpu.memory_space<vmem>>
      %dma_start3A_82 = arith.constant 0 : i32
      %dma_start3A_83 = arith.constant 0 : i32
      %dma_start3A_84 = tpu.memref_slice %arg11[%dma_start3A_82, %dma_start3A_83] : memref<10112x128xf32, #tpu.memory_space<vmem_shared>> -> memref<10112x128xf32, #tpu.memory_space<vmem_shared>>
      tpu.enqueue_indirect_dma source(%arg9 : memref<128x128xf32, #tpu.memory_space<vmem>>) target(%dma_start3A_84 : memref<10112x128xf32, #tpu.memory_space<vmem_shared>>) offsets(%dma_start3A_81 : memref<128xi32, #tpu.memory_space<vmem>>) semaphore(%run_scoped3A_78 : memref<!tpu.dma_semaphore, #tpu.memory_space<semaphore_mem>>) {add = true}
      %dma_wait3A_85 = arith.constant 0 : i32
      %dma_wait3A_86 = tpu.memref_slice %arg8[%run_scoped3A_64, %dma_wait3A_85] : memref<40x128xi32, #tpu.memory_space<vmem>> -> memref<1x128xi32, #tpu.memory_space<vmem>>
      %dma_wait3A_87 = tpu.memref_squeeze %dma_wait3A_86 : memref<1x128xi32, #tpu.memory_space<vmem>> -> memref<128xi32, #tpu.memory_space<vmem>>
      %dma_wait3A_88 = arith.constant 0 : i32
      %dma_wait3A_89 = arith.constant 0 : i32
      %dma_wait3A_90 = tpu.memref_slice %arg11[%dma_wait3A_88, %dma_wait3A_89] : memref<10112x128xf32, #tpu.memory_space<vmem_shared>> -> memref<10112x128xf32, #tpu.memory_space<vmem_shared>>
      tpu.wait_indirect_dma semaphore(%run_scoped3A_78 : memref<!tpu.dma_semaphore, #tpu.memory_space<semaphore_mem>>) src(%arg9 : memref<128x128xf32, #tpu.memory_space<vmem>>) dst(%dma_wait3A_90 : memref<10112x128xf32, #tpu.memory_space<vmem_shared>>)
      tpu.yield
    }) : () -> ()
    %dma_wait3A_65 = arith.constant 0 : i32
    %dma_wait3A_66 = arith.constant 0 : i32
    %dma_wait3A_67 = tpu.memref_slice %arg7[%dma_wait3A_65, %dma_wait3A_66] : memref<40x128xi32, #tpu.memory_space<vmem>> -> memref<1x128xi32, #tpu.memory_space<vmem>>
    %dma_wait3A_68 = tpu.memref_squeeze %dma_wait3A_67 : memref<1x128xi32, #tpu.memory_space<vmem>> -> memref<128xi32, #tpu.memory_space<vmem>>
    %dma_wait3A_69 = arith.constant 0 : i32
    %dma_wait3A_70 = arith.constant 0 : i32
    %dma_wait3A_71 = tpu.memref_slice %arg2[%dma_wait3A_69, %dma_wait3A_70] : memref<10000x128xf32, #tpu.memory_space<hbm>> -> memref<10000x128xf32, #tpu.memory_space<hbm>>
    tpu.wait_indirect_dma semaphore(%arg13 : memref<!tpu.dma_semaphore, #tpu.memory_space<semaphore_mem>>) src(%dma_wait3A_71 : memref<10000x128xf32, #tpu.memory_space<hbm>>) dst(%arg10 : memref<128x128xf32, #tpu.memory_space<vmem>>)
    %run_scoped3A_72 = arith.constant 39 : i32
    "tpu.region"() ({
      %run_scoped3A_78 = tpu.sem_alloc : memref<!tpu.dma_semaphore, #tpu.memory_space<semaphore_mem>>
      %dma_start3A_79 = arith.constant 0 : i32
      %dma_start3A_80 = tpu.memref_slice %arg8[%run_scoped3A_72, %dma_start3A_79] : memref<40x128xi32, #tpu.memory_space<vmem>> -> memref<1x128xi32, #tpu.memory_space<vmem>>
      %dma_start3A_81 = tpu.memref_squeeze %dma_start3A_80 : memref<1x128xi32, #tpu.memory_space<vmem>> -> memref<128xi32, #tpu.memory_space<vmem>>
      %dma_start3A_82 = arith.constant 0 : i32
      %dma_start3A_83 = arith.constant 0 : i32
      %dma_start3A_84 = tpu.memref_slice %arg11[%dma_start3A_82, %dma_start3A_83] : memref<10112x128xf32, #tpu.memory_space<vmem_shared>> -> memref<10112x128xf32, #tpu.memory_space<vmem_shared>>
      tpu.enqueue_indirect_dma source(%arg10 : memref<128x128xf32, #tpu.memory_space<vmem>>) target(%dma_start3A_84 : memref<10112x128xf32, #tpu.memory_space<vmem_shared>>) offsets(%dma_start3A_81 : memref<128xi32, #tpu.memory_space<vmem>>) semaphore(%run_scoped3A_78 : memref<!tpu.dma_semaphore, #tpu.memory_space<semaphore_mem>>) {add = true}
      %dma_wait3A_85 = arith.constant 0 : i32
      %dma_wait3A_86 = tpu.memref_slice %arg8[%run_scoped3A_72, %dma_wait3A_85] : memref<40x128xi32, #tpu.memory_space<vmem>> -> memref<1x128xi32, #tpu.memory_space<vmem>>
      %dma_wait3A_87 = tpu.memref_squeeze %dma_wait3A_86 : memref<1x128xi32, #tpu.memory_space<vmem>> -> memref<128xi32, #tpu.memory_space<vmem>>
      %dma_wait3A_88 = arith.constant 0 : i32
      %dma_wait3A_89 = arith.constant 0 : i32
      %dma_wait3A_90 = tpu.memref_slice %arg11[%dma_wait3A_88, %dma_wait3A_89] : memref<10112x128xf32, #tpu.memory_space<vmem_shared>> -> memref<10112x128xf32, #tpu.memory_space<vmem_shared>>
      tpu.wait_indirect_dma semaphore(%run_scoped3A_78 : memref<!tpu.dma_semaphore, #tpu.memory_space<semaphore_mem>>) src(%arg10 : memref<128x128xf32, #tpu.memory_space<vmem>>) dst(%dma_wait3A_90 : memref<10112x128xf32, #tpu.memory_space<vmem_shared>>)
      tpu.yield
    }) : () -> ()
    %barrier3A_73 = arith.constant 0 : index
    tpu.barrier barrier_id(%barrier3A_73)
    %mul3A_74 = arith.constant 632 : i32
    %mul3A_75 = arith.muli %arg1, %mul3A_74 : i32
    %mul3A_76 = arith.constant 632 : i32
    %mul3A_77 = arith.muli %arg1, %mul3A_76 : i32
    "tpu.region"() ({
      %run_scoped3A_78 = tpu.sem_alloc : memref<!tpu.dma_semaphore, #tpu.memory_space<semaphore_mem>>
      %dma_start3A_79 = arith.constant 0 : i32
      %dma_start3A_80 = tpu.memref_slice %arg6[%arg0, %mul3A_77, %dma_start3A_79] : memref<2x10112x128xf32, #tpu.memory_space<hbm>> -> memref<1x632x128xf32, #tpu.memory_space<hbm>>
      %dma_start3A_81 = tpu.memref_squeeze %dma_start3A_80 : memref<1x632x128xf32, #tpu.memory_space<hbm>> -> memref<632x128xf32, #tpu.memory_space<hbm>>
      %dma_start3A_82 = arith.constant 0 : i32
      %dma_start3A_83 = tpu.memref_slice %arg11[%mul3A_75, %dma_start3A_82] : memref<10112x128xf32, #tpu.memory_space<vmem_shared>> -> memref<632x128xf32, #tpu.memory_space<vmem_shared>>
      tpu.enqueue_dma source(%dma_start3A_83 : memref<632x128xf32, #tpu.memory_space<vmem_shared>>) target(%dma_start3A_81 : memref<632x128xf32, #tpu.memory_space<hbm>>) target_semaphore(%run_scoped3A_78 : memref<!tpu.dma_semaphore, #tpu.memory_space<semaphore_mem>>)
      %dma_wait3A_84 = arith.constant 0 : i32
      %dma_wait3A_85 = tpu.memref_slice %arg6[%arg0, %mul3A_77, %dma_wait3A_84] : memref<2x10112x128xf32, #tpu.memory_space<hbm>> -> memref<1x632x128xf32, #tpu.memory_space<hbm>>
      %dma_wait3A_86 = tpu.memref_squeeze %dma_wait3A_85 : memref<1x632x128xf32, #tpu.memory_space<hbm>> -> memref<632x128xf32, #tpu.memory_space<hbm>>
      %dma_wait3A_87 = arith.constant 0 : i32
      %dma_wait3A_88 = tpu.memref_slice %arg11[%mul3A_75, %dma_wait3A_87] : memref<10112x128xf32, #tpu.memory_space<vmem_shared>> -> memref<632x128xf32, #tpu.memory_space<vmem_shared>>
      tpu.wait_dma2 semaphore(%run_scoped3A_78 : memref<!tpu.dma_semaphore, #tpu.memory_space<semaphore_mem>>) src(%dma_wait3A_88 : memref<632x128xf32, #tpu.memory_space<vmem_shared>>) dst(%dma_wait3A_86 : memref<632x128xf32, #tpu.memory_space<hbm>>)
      tpu.yield
    }) : () -> ()
    return
  }
}

module attributes {stable_mosaic.version = 14 : i64} {
  func.func @_disb_body(%arg0: i32, %arg1: memref<2x1000x128xf32, #tpu.memory_space<vmem>>, %arg2: memref<1000x128xf32, #tpu.memory_space<vmem>>) attributes {dimension_semantics = [#tpu.dimension_semantics<arbitrary>], iteration_bounds = array<i64: 10>, scalar_prefetch = 0 : i64, scratch_operands = 0 : i64, tpu.core_type = #tpu.core_type<tc>, window_params = [{transform_indices = @transform_0, window_bounds = array<i64: 2, 1000, 128>}, {transform_indices = @transform_1, window_bounds = array<i64: 1000, 128>}]} {
    %get3A = arith.constant 0 : index
    %get3A_0 = arith.constant 0 : index
    %get3A_1 = arith.constant 0 : index
    %get3A_2 = vector.load %arg1[%get3A, %get3A_0, %get3A_1] : memref<2x1000x128xf32, #tpu.memory_space<vmem>>, vector<1x1000x128xf32>
    %get3A_3 = vector.shape_cast %get3A_2 : vector<1x1000x128xf32> to vector<1000x128xf32>
    %get3A_4 = arith.constant 1 : index
    %get3A_5 = arith.constant 0 : index
    %get3A_6 = arith.constant 0 : index
    %get3A_7 = vector.load %arg1[%get3A_4, %get3A_5, %get3A_6] : memref<2x1000x128xf32, #tpu.memory_space<vmem>>, vector<1x1000x128xf32>
    %get3A_8 = vector.shape_cast %get3A_7 : vector<1x1000x128xf32> to vector<1000x128xf32>
    %add3A = arith.addf %get3A_3, %get3A_8 : vector<1000x128xf32>
    %add3A_9 = arith.constant 1.000000e+00 : f32
    %add3A_10 = vector.broadcast %add3A_9 : f32 to vector<1000x128xf32>
    %add3A_11 = arith.addf %add3A, %add3A_10 : vector<1000x128xf32>
    %rsqrt3A = math.rsqrt %add3A_11 : vector<1000x128xf32>
    %swap3A = arith.constant 0 : index
    %swap3A_12 = arith.constant 0 : index
    %swap3A_13 = vector.load %arg2[%swap3A, %swap3A_12] : memref<1000x128xf32, #tpu.memory_space<vmem>>, vector<1000x128xf32>
    tpu.vector_store %arg2[%swap3A, %swap3A_12], %rsqrt3A {strides = array<i32>} : memref<1000x128xf32, #tpu.memory_space<vmem>>, vector<1000x128xf32>,
    return
  }
  func.func @transform_0(%arg0: i32) -> (i32, i32, i32) {
    %c0_i32 = arith.constant 0 : i32
    %c0_i32_0 = arith.constant 0 : i32
    %c0_i32_1 = arith.constant 0 : i32
    return %c0_i32, %arg0, %c0_i32_0 : i32, i32, i32
  }
  func.func @transform_1(%arg0: i32) -> (i32, i32) {
    %c0_i32 = arith.constant 0 : i32
    %c0_i32_0 = arith.constant 0 : i32
    return %arg0, %c0_i32 : i32, i32
  }
}

module attributes {stable_mosaic.version = 14 : i64} {
  func.func @_y2_body(%arg0: i32, %arg1: memref<2x1000x128xf32, #tpu.memory_space<vmem>>, %arg2: memref<1000x128xf32, #tpu.memory_space<vmem>>, %arg3: memref<1000x128xf32, #tpu.memory_space<vmem>>, %arg4: memref<1x128xf32, #tpu.memory_space<vmem>>, %arg5: memref<128x128xf32, #tpu.memory_space<vmem>>, %arg6: memref<1000x128xf32, #tpu.memory_space<vmem>>) attributes {dimension_semantics = [#tpu.dimension_semantics<arbitrary>], iteration_bounds = array<i64: 10>, scalar_prefetch = 0 : i64, scratch_operands = 0 : i64, tpu.core_type = #tpu.core_type<tc>, window_params = [{transform_indices = @transform_0, window_bounds = array<i64: 2, 1000, 128>}, {transform_indices = @transform_1, window_bounds = array<i64: 1000, 128>}, {transform_indices = @transform_2, window_bounds = array<i64: 1000, 128>}, {pipeline_mode = #tpu.pipeline_mode<synchronous>, transform_indices = @transform_3, window_bounds = array<i64: 1, 128>}, {pipeline_mode = #tpu.pipeline_mode<synchronous>, transform_indices = @transform_4, window_bounds = array<i64: 128, 128>}, {transform_indices = @transform_5, window_bounds = array<i64: 1000, 128>}]} {
    %get3A = arith.constant 0 : index
    %get3A_0 = arith.constant 0 : index
    %get3A_1 = vector.load %arg3[%get3A, %get3A_0] : memref<1000x128xf32, #tpu.memory_space<vmem>>, vector<1000x128xf32>
    %get3A_2 = arith.constant 0 : index
    %get3A_3 = arith.constant 0 : index
    %get3A_4 = arith.constant 0 : index
    %get3A_5 = vector.load %arg1[%get3A_2, %get3A_3, %get3A_4] : memref<2x1000x128xf32, #tpu.memory_space<vmem>>, vector<1x1000x128xf32>
    %get3A_6 = vector.shape_cast %get3A_5 : vector<1x1000x128xf32> to vector<1000x128xf32>
    %get3A_7 = arith.constant 1 : index
    %get3A_8 = arith.constant 0 : index
    %get3A_9 = arith.constant 0 : index
    %get3A_10 = vector.load %arg1[%get3A_7, %get3A_8, %get3A_9] : memref<2x1000x128xf32, #tpu.memory_space<vmem>>, vector<1x1000x128xf32>
    %get3A_11 = vector.shape_cast %get3A_10 : vector<1x1000x128xf32> to vector<1000x128xf32>
    %add3A = arith.addf %get3A_6, %get3A_11 : vector<1000x128xf32>
    %get3A_12 = arith.constant 0 : index
    %get3A_13 = arith.constant 0 : index
    %get3A_14 = vector.load %arg2[%get3A_12, %get3A_13] : memref<1000x128xf32, #tpu.memory_space<vmem>>, vector<1000x128xf32>
    %add3A_15 = arith.addf %add3A, %get3A_14 : vector<1000x128xf32>
    %mul3A = arith.mulf %get3A_1, %add3A_15 : vector<1000x128xf32>
    %get3A_16 = arith.constant 0 : index
    %get3A_17 = arith.constant 0 : index
    %get3A_18 = vector.load %arg4[%get3A_16, %get3A_17] : memref<1x128xf32, #tpu.memory_space<vmem>>, vector<1x128xf32>
    %add3A_19 = vector.broadcast %get3A_18 : vector<1x128xf32> to vector<1000x128xf32>
    %add3A_20 = arith.addf %mul3A, %add3A_19 : vector<1000x128xf32>
    %max3A = arith.constant 0.000000e+00 : f32
    %max3A_21 = vector.broadcast %max3A : f32 to vector<1000x128xf32>
    %max3A_22 = arith.maximumf %add3A_20, %max3A_21 : vector<1000x128xf32>
    %get3A_23 = arith.constant 0 : index
    %get3A_24 = arith.constant 0 : index
    %get3A_25 = vector.load %arg5[%get3A_23, %get3A_24] : memref<128x128xf32, #tpu.memory_space<vmem>>, vector<128x128xf32>
    %dot_general3A = arith.constant dense<0.000000e+00> : vector<1000x128xf32>
    %dot_general3A_26 = tpu.matmul %max3A_22, %get3A_25, %dot_general3A {dimension_numbers = #tpu.dot_dimension_numbers<[1], [0], [0], [1], [0, 0, 1, 1], [], []>, precision = #tpu.contract_precision<fp32>, transpose_lhs_hint = false} : vector<1000x128xf32>, vector<128x128xf32>, vector<1000x128xf32> -> vector<1000x128xf32>
    %get3A_27 = arith.constant 0 : index
    %get3A_28 = arith.constant 0 : index
    %get3A_29 = vector.load %arg3[%get3A_27, %get3A_28] : memref<1000x128xf32, #tpu.memory_space<vmem>>, vector<1000x128xf32>
    %mul3A_30 = arith.mulf %dot_general3A_26, %get3A_29 : vector<1000x128xf32>
    %swap3A = arith.constant 0 : index
    %swap3A_31 = arith.constant 0 : index
    %swap3A_32 = vector.load %arg6[%swap3A, %swap3A_31] : memref<1000x128xf32, #tpu.memory_space<vmem>>, vector<1000x128xf32>
    tpu.vector_store %arg6[%swap3A, %swap3A_31], %mul3A_30 {strides = array<i32>} : memref<1000x128xf32, #tpu.memory_space<vmem>>, vector<1000x128xf32>,
    return
  }
  func.func @transform_0(%arg0: i32) -> (i32, i32, i32) {
    %c0_i32 = arith.constant 0 : i32
    %c0_i32_0 = arith.constant 0 : i32
    %c0_i32_1 = arith.constant 0 : i32
    return %c0_i32, %arg0, %c0_i32_0 : i32, i32, i32
  }
  func.func @transform_1(%arg0: i32) -> (i32, i32) {
    %c0_i32 = arith.constant 0 : i32
    %c0_i32_0 = arith.constant 0 : i32
    return %arg0, %c0_i32 : i32, i32
  }
  func.func @transform_2(%arg0: i32) -> (i32, i32) {
    %c0_i32 = arith.constant 0 : i32
    %c0_i32_0 = arith.constant 0 : i32
    return %arg0, %c0_i32 : i32, i32
  }
  func.func @transform_3(%arg0: i32) -> (i32, i32) {
    %c0_i32 = arith.constant 0 : i32
    %c0_i32_0 = arith.constant 0 : i32
    %c0_i32_1 = arith.constant 0 : i32
    return %c0_i32, %c0_i32_0 : i32, i32
  }
  func.func @transform_4(%arg0: i32) -> (i32, i32) {
    %c0_i32 = arith.constant 0 : i32
    %c0_i32_0 = arith.constant 0 : i32
    %c0_i32_1 = arith.constant 0 : i32
    return %c0_i32, %c0_i32_0 : i32, i32
  }
  func.func @transform_5(%arg0: i32) -> (i32, i32) {
    %c0_i32 = arith.constant 0 : i32
    %c0_i32_0 = arith.constant 0 : i32
    return %arg0, %c0_i32 : i32, i32
  }
}

module attributes {stable_mosaic.version = 14 : i64} {
  func.func @_y1_body(%arg0: i32, %arg1: memref<1000x128xf32, #tpu.memory_space<vmem>>, %arg2: memref<128x128xf32, #tpu.memory_space<vmem>>, %arg3: memref<1000x128xf32, #tpu.memory_space<vmem>>, %arg4: memref<1000x128xf32, #tpu.memory_space<vmem>>) attributes {dimension_semantics = [#tpu.dimension_semantics<arbitrary>], iteration_bounds = array<i64: 10>, scalar_prefetch = 0 : i64, scratch_operands = 0 : i64, tpu.core_type = #tpu.core_type<tc>, window_params = [{transform_indices = @transform_0, window_bounds = array<i64: 1000, 128>}, {pipeline_mode = #tpu.pipeline_mode<synchronous>, transform_indices = @transform_1, window_bounds = array<i64: 128, 128>}, {transform_indices = @transform_2, window_bounds = array<i64: 1000, 128>}, {transform_indices = @transform_3, window_bounds = array<i64: 1000, 128>}]} {
    %get3A = arith.constant 0 : index
    %get3A_0 = arith.constant 0 : index
    %get3A_1 = vector.load %arg1[%get3A, %get3A_0] : memref<1000x128xf32, #tpu.memory_space<vmem>>, vector<1000x128xf32>
    %get3A_2 = arith.constant 0 : index
    %get3A_3 = arith.constant 0 : index
    %get3A_4 = vector.load %arg2[%get3A_2, %get3A_3] : memref<128x128xf32, #tpu.memory_space<vmem>>, vector<128x128xf32>
    %dot_general3A = arith.constant dense<0.000000e+00> : vector<1000x128xf32>
    %dot_general3A_5 = tpu.matmul %get3A_1, %get3A_4, %dot_general3A {dimension_numbers = #tpu.dot_dimension_numbers<[1], [0], [0], [1], [0, 0, 1, 1], [], []>, precision = #tpu.contract_precision<fp32>, transpose_lhs_hint = false} : vector<1000x128xf32>, vector<128x128xf32>, vector<1000x128xf32> -> vector<1000x128xf32>
    %get3A_6 = arith.constant 0 : index
    %get3A_7 = arith.constant 0 : index
    %get3A_8 = vector.load %arg3[%get3A_6, %get3A_7] : memref<1000x128xf32, #tpu.memory_space<vmem>>, vector<1000x128xf32>
    %mul3A = arith.mulf %dot_general3A_5, %get3A_8 : vector<1000x128xf32>
    %swap3A = arith.constant 0 : index
    %swap3A_9 = arith.constant 0 : index
    %swap3A_10 = vector.load %arg4[%swap3A, %swap3A_9] : memref<1000x128xf32, #tpu.memory_space<vmem>>, vector<1000x128xf32>
    tpu.vector_store %arg4[%swap3A, %swap3A_9], %mul3A {strides = array<i32>} : memref<1000x128xf32, #tpu.memory_space<vmem>>, vector<1000x128xf32>,
    return
  }
  func.func @transform_0(%arg0: i32) -> (i32, i32) {
    %c0_i32 = arith.constant 0 : i32
    %c0_i32_0 = arith.constant 0 : i32
    return %arg0, %c0_i32 : i32, i32
  }
  func.func @transform_1(%arg0: i32) -> (i32, i32) {
    %c0_i32 = arith.constant 0 : i32
    %c0_i32_0 = arith.constant 0 : i32
    %c0_i32_1 = arith.constant 0 : i32
    return %c0_i32, %c0_i32_0 : i32, i32
  }
  func.func @transform_2(%arg0: i32) -> (i32, i32) {
    %c0_i32 = arith.constant 0 : i32
    %c0_i32_0 = arith.constant 0 : i32
    return %arg0, %c0_i32 : i32, i32
  }
  func.func @transform_3(%arg0: i32) -> (i32, i32) {
    %c0_i32 = arith.constant 0 : i32
    %c0_i32_0 = arith.constant 0 : i32
    return %arg0, %c0_i32 : i32, i32
  }
}

module attributes {stable_mosaic.version = 14 : i64} {
  func.func @_out_body(%arg0: i32, %arg1: memref<2x1000x128xf32, #tpu.memory_space<vmem>>, %arg2: memref<1000x128xf32, #tpu.memory_space<vmem>>, %arg3: memref<1000x128xf32, #tpu.memory_space<vmem>>, %arg4: memref<1x128xf32, #tpu.memory_space<vmem>>, %arg5: memref<1000x128xf32, #tpu.memory_space<vmem>>) attributes {dimension_semantics = [#tpu.dimension_semantics<arbitrary>], iteration_bounds = array<i64: 10>, scalar_prefetch = 0 : i64, scratch_operands = 0 : i64, tpu.core_type = #tpu.core_type<tc>, window_params = [{transform_indices = @transform_0, window_bounds = array<i64: 2, 1000, 128>}, {transform_indices = @transform_1, window_bounds = array<i64: 1000, 128>}, {transform_indices = @transform_2, window_bounds = array<i64: 1000, 128>}, {pipeline_mode = #tpu.pipeline_mode<synchronous>, transform_indices = @transform_3, window_bounds = array<i64: 1, 128>}, {transform_indices = @transform_4, window_bounds = array<i64: 1000, 128>}]} {
    %get3A = arith.constant 0 : index
    %get3A_0 = arith.constant 0 : index
    %get3A_1 = vector.load %arg3[%get3A, %get3A_0] : memref<1000x128xf32, #tpu.memory_space<vmem>>, vector<1000x128xf32>
    %get3A_2 = arith.constant 0 : index
    %get3A_3 = arith.constant 0 : index
    %get3A_4 = arith.constant 0 : index
    %get3A_5 = vector.load %arg1[%get3A_2, %get3A_3, %get3A_4] : memref<2x1000x128xf32, #tpu.memory_space<vmem>>, vector<1x1000x128xf32>
    %get3A_6 = vector.shape_cast %get3A_5 : vector<1x1000x128xf32> to vector<1000x128xf32>
    %get3A_7 = arith.constant 1 : index
    %get3A_8 = arith.constant 0 : index
    %get3A_9 = arith.constant 0 : index
    %get3A_10 = vector.load %arg1[%get3A_7, %get3A_8, %get3A_9] : memref<2x1000x128xf32, #tpu.memory_space<vmem>>, vector<1x1000x128xf32>
    %get3A_11 = vector.shape_cast %get3A_10 : vector<1x1000x128xf32> to vector<1000x128xf32>
    %add3A = arith.addf %get3A_6, %get3A_11 : vector<1000x128xf32>
    %get3A_12 = arith.constant 0 : index
    %get3A_13 = arith.constant 0 : index
    %get3A_14 = vector.load %arg2[%get3A_12, %get3A_13] : memref<1000x128xf32, #tpu.memory_space<vmem>>, vector<1000x128xf32>
    %add3A_15 = arith.addf %add3A, %get3A_14 : vector<1000x128xf32>
    %mul3A = arith.mulf %get3A_1, %add3A_15 : vector<1000x128xf32>
    %get3A_16 = arith.constant 0 : index
    %get3A_17 = arith.constant 0 : index
    %get3A_18 = vector.load %arg4[%get3A_16, %get3A_17] : memref<1x128xf32, #tpu.memory_space<vmem>>, vector<1x128xf32>
    %add3A_19 = vector.broadcast %get3A_18 : vector<1x128xf32> to vector<1000x128xf32>
    %add3A_20 = arith.addf %mul3A, %add3A_19 : vector<1000x128xf32>
    %swap3A = arith.constant 0 : index
    %swap3A_21 = arith.constant 0 : index
    %swap3A_22 = vector.load %arg5[%swap3A, %swap3A_21] : memref<1000x128xf32, #tpu.memory_space<vmem>>, vector<1000x128xf32>
    tpu.vector_store %arg5[%swap3A, %swap3A_21], %add3A_20 {strides = array<i32>} : memref<1000x128xf32, #tpu.memory_space<vmem>>, vector<1000x128xf32>,
    return
  }
  func.func @transform_0(%arg0: i32) -> (i32, i32, i32) {
    %c0_i32 = arith.constant 0 : i32
    %c0_i32_0 = arith.constant 0 : i32
    %c0_i32_1 = arith.constant 0 : i32
    return %c0_i32, %arg0, %c0_i32_0 : i32, i32, i32
  }
  func.func @transform_1(%arg0: i32) -> (i32, i32) {
    %c0_i32 = arith.constant 0 : i32
    %c0_i32_0 = arith.constant 0 : i32
    return %arg0, %c0_i32 : i32, i32
  }
  func.func @transform_2(%arg0: i32) -> (i32, i32) {
    %c0_i32 = arith.constant 0 : i32
    %c0_i32_0 = arith.constant 0 : i32
    return %arg0, %c0_i32 : i32, i32
  }
  func.func @transform_3(%arg0: i32) -> (i32, i32) {
    %c0_i32 = arith.constant 0 : i32
    %c0_i32_0 = arith.constant 0 : i32
    %c0_i32_1 = arith.constant 0 : i32
    return %c0_i32, %c0_i32_0 : i32, i32
  }
  func.func @transform_4(%arg0: i32) -> (i32, i32) {
    %c0_i32 = arith.constant 0 : i32
    %c0_i32_0 = arith.constant 0 : i32
    return %arg0, %c0_i32 : i32, i32
  }
}

</mosaic_0001>

<sc_bundles>
// kernel: kernel.12.cloned.1.call-start
scs
__scs_entry_jumppad:
0x0: {  	(pc) =	sbr.rel $0x88, $3  }
0x1: {  	(tag) =	ssettag $0x0;
	lr =	simm.s32 $0x1  }
0x2: {  	[smem:$0x3F9B] =	sst lr;
	_ =	strace $0xD0000000  }
0x3: {  	_ = 	snop  }
0x4: {  	_ = 	snop  }
0x5: {  	_ = 	snop  }
0x6: {  	_ = 	snop  }
0x7: {  	_ = 	snop  }
__scs_overlays_trampoline_lowered:
0x8: {  	[smem:$0x3FAA] =	sst s0  }
0x9: {  	[smem:$0x3FAB] =	sst s1  }
0xa: {  	[smem:$0x3FAC] =	sst s2  }
0xb: {  	[smem:$0x3FAD] =	sst s3  }
0xc: {  	[smem:$0x3FAE] =	sst s4  }
0xd: {  	[smem:$0x3FAF] =	sst s5  }
0xe: {  	[smem:$0x3FB0] =	sst s6  }
0xf: {  	[smem:$0x3FB1] =	sst s7  }
0x10: {  	[smem:$0x3FB2] =	sst s8  }
0x11: {  	[smem:$0x3FB3] =	sst s9;
	s0 =	simm.s32 @!p0 $0x0  }
0x12: {  	s1 =	sld [smem:$0x3F99];
	s0 =	simm.s32 @p0 $0x1  }
0x13: {  	[smem:$0x3FB4] =	sst s0;
	s0 =	simm.s32 @!p1 $0x0  }
0x14: {  	s2 =	sld [smem:$0x3F98];
	s0 =	simm.s32 @p1 $0x1  }
0x15: {  	[smem:$0x3FB5] =	sst s0;
	s0 =	simm.s32 @!p2 $0x0  }
0x16: {  	s3 =	sld [smem:$0x3FDB];
	s0 =	simm.s32 @p2 $0x1  }
0x17: {  	s4 =	simm.s32 $0x1BF5;
	[smem:$0x3FB7] =	sst s0  }
0x18: {  	s0 =	sld [smem:$0x3F9A];
	_ =	swait.ge [sflag:s4], $0x0  }
0x19: {  	s7 =	sld [smem:$0x3F9B]  }
0x1a: {  	s8 =	sadd.s32 $0xFFFFE003, lr  }
0x1b: {  	s9 =	sadd.s32 $0xFFFFFEF7, lr;
	s5 =	simm.s32 $0xFFFFFFFF;
	p2 =	slt.u32 s8, $0xFFFFF086  }
0x1c: {  	p1 =	slt.u32 s9, $0xF7A;
	s5 =	simm.s32 @!p2 $0x0  }
0x1d: {  	s5 =	simm.s32 @p1 $0x1;
	p0 =	seq.s32 s7, s2  }
0x1e: {  	s7 =	smul.u32 @!p0 $0xF7A, s2;
	p2 =	seq.s32 @!p0 s5, $0x0  }
0x1f: {  	s9 =	smul.u32 $0xF7A, s1;
	s8 =	simm.s32 @!p0 $0x1BF5;
	p2 =	por !p2, p0  }
0x20: {  	[sflag:s8] =	ssyncset.s32 @!p0 $0xFFFFF086;
	s6 =	sadd.s32 @!p0 s3, s7;
	s7 =	simm.s32 @!p0 $0x108  }
0x21: {  	s3 =	sadd.s32 s3, s9;
	s6 =	sadd.s32 @!p0 $0x88, s6;
	s7 =	simm.s32 @p2 $0x1082  }
0x22: {  	[simem:s7], [sflag:s8] =	dma.local @!p0 [hbm:s6], $0xF7A  }
0x23: {  	s9 =	sor.u32 $0xD0000000, s2;
	s6 =	simm.s32 $0x108;
	_ =	swait.ge @!p0 [sflag:s8], $0x0  }
0x24: {  	s3 =	sadd.s32 $0x88, s3;
	s6 =	simm.s32 @!p1 $0x1082;
	[sflag:s4] =	ssyncset.s32 $0xFFFFF086  }
0x25: {  	[simem:s6], [sflag:s4] =	dma.local [hbm:s3], $0xF7A  }
0x26: {  	[smem:$0x3F9B] =	sst s1;
	(tag) =	ssettag s2;
	_ =	strace s9  }
0x27: {  	s1 =	sld [smem:$0x3FAB]  }
0x28: {  	s2 =	sld [smem:$0x3FAC]  }
0x29: {  	s4 =	sld [smem:$0x3FAE]  }
0x2a: {  	p0 =	seq.s32 s5, $0x0;
	s5 =	sld [smem:$0x3FAF]  }
0x2b: {  	s6 =	sld [smem:$0x3FB0]  }
0x2c: {  	s7 =	sld [smem:$0x3FB1]  }
0x2d: {  	s3 =	simm.s32 $0x108;
	s8 =	sld [smem:$0x3FB2]  }
0x2e: {  	s3 =	simm.s32 @!p0 $0x1082;
	s9 =	sld [smem:$0x3FB3]  }
0x2f: {  	lr =	sadd.s32 s0, s3;
	s0 =	sld [smem:$0x3FAA]  }
0x30: {  	s3 =	sld [smem:$0x3FAD]  }
0x31: {  	[smem:$0x3FB6] =	sst s10  }
0x32: {  	s10 =	sld [smem:$0x3FB4];
	_ =	sdelay $0x3  }
0x33: {  	p0 =	seq.s32 s10, $0x1;
	s10 =	sld [smem:$0x3FB6];
	_ =	sdelay $0x3  }
0x34: {  	[smem:$0x3FB6] =	sst s10  }
0x35: {  	s10 =	sld [smem:$0x3FB5];
	_ =	sdelay $0x3  }
0x36: {  	p1 =	seq.s32 s10, $0x1;
	s10 =	sld [smem:$0x3FB6];
	_ =	sdelay $0x3  }
0x37: {  	[smem:$0x3FB6] =	sst s10  }
0x38: {  	s10 =	sld [smem:$0x3FB7]  }
0x39: {  	_ = 	snop;
	(pc) =	sbr.ind lr, $3  }
0x3a: {  	_ = 	snop  }
0x3b: {  	_ = 	snop  }
0x3c: {  	p2 =	seq.s32 s10, $0x1;
	s10 =	sld [smem:$0x3FB6]  }
0x3d: {  	_ =	shalt  }
0x3e: {  	_ =	shalt  }
0x3f: {  	_ =	shalt  }
0x40: {  	_ =	shalt  }
0x41: {  	_ =	shalt  }
0x42: {  	_ =	shalt  }
0x43: {  	_ =	shalt  }
0x44: {  	_ =	shalt  }
0x45: {  	_ =	shalt  }
0x46: {  	_ =	shalt  }
0x47: {  	_ =	shalt  }
0x48: {  	_ =	shalt  }
0x49: {  	_ =	shalt  }
0x4a: {  	_ =	shalt  }
0x4b: {  	_ =	shalt  }
0x4c: {  	_ =	shalt  }
0x4d: {  	_ =	shalt  }
0x4e: {  	_ =	shalt  }
0x4f: {  	_ =	shalt  }
0x50: {  	_ =	shalt  }
0x51: {  	_ =	shalt  }
0x52: {  	_ =	shalt  }
0x53: {  	_ =	shalt  }
0x54: {  	_ =	shalt  }
0x55: {  	_ =	shalt  }
0x56: {  	_ =	shalt  }
0x57: {  	_ =	shalt  }
0x58: {  	_ =	shalt  }
0x59: {  	_ =	shalt  }
0x5a: {  	_ =	shalt  }
0x5b: {  	_ =	shalt  }
0x5c: {  	_ =	shalt  }
0x5d: {  	_ =	shalt  }
0x5e: {  	_ =	shalt  }
0x5f: {  	_ =	shalt  }
0x60: {  	_ =	shalt  }
0x61: {  	_ =	shalt  }
0x62: {  	_ =	shalt  }
0x63: {  	_ =	shalt  }
0x64: {  	_ =	shalt  }
0x65: {  	_ =	shalt  }
0x66: {  	_ =	shalt  }
0x67: {  	_ =	shalt  }
0x68: {  	_ =	shalt  }
0x69: {  	_ =	shalt  }
0x6a: {  	_ =	shalt  }
0x6b: {  	_ =	shalt  }
0x6c: {  	_ =	shalt  }
0x6d: {  	_ =	shalt  }
0x6e: {  	_ =	shalt  }
0x6f: {  	_ =	shalt  }
0x70: {  	_ =	shalt  }
0x71: {  	_ =	shalt  }
0x72: {  	_ =	shalt  }
0x73: {  	_ =	shalt  }
0x74: {  	_ =	shalt  }
0x75: {  	_ =	shalt  }
0x76: {  	_ =	shalt  }
0x77: {  	_ =	shalt  }
0x78: {  	_ =	shalt  }
0x79: {  	_ =	shalt  }
0x7a: {  	_ =	shalt  }
0x7b: {  	_ =	shalt  }
0x7c: {  	_ =	shalt  }
0x7d: {  	_ =	shalt  }
0x7e: {  	_ =	shalt  }
0x7f: {  	_ =	shalt  }
0x80: {  	_ =	shalt  }
0x81: {  	_ =	shalt  }
0x82: {  	_ =	shalt  }
0x83: {  	_ =	shalt  }
0x84: {  	_ =	shalt  }
0x85: {  	_ =	shalt  }
0x86: {  	_ =	shalt  }
0x87: {  	_ =	shalt  }
.Lfunc_end0:
.L_simem_size_0:
called_computation.1_lowered:
.L_overlay_start_0:
0x88: {  	s2 =	sld [smem:$0x3FD9]  }
0x89: {  	s3 =	sld [smem:$0x3FFE];
	_ =	sdelay $0x1  }
0x8a: {  	s1 =	srdreg.scid  }
0x8b: {  	s0 =	sand.u32 $0x1, s1  }
0x8c: {  	s17 =	sshll.u32 s0, $0xA;
	s2 =	sadd.s32 s3, s2  }
0x8d: {  	s2 =	sadd.s32 s2, s17  }
0x8e: {  	[smem:$0x3FC2] =	sst s2  }
0x8f: {  	_ = 	snop  }
0x90: {  	s2 =	sld [smem:$0x3FD0];
	(tm) =	ssettm $0x1  }
0x91: {  	s18 =	sld [smem:$0x3FFB];
	_ =	sdelay $0x3  }
0x92: {  	_ =	strace s18  }
0x93: {  	s3 =	sld [smem:$0x3FFC];
	_ =	sdelay $0x3  }
0x94: {  	_ =	strace s3  }
0x95: {  	s3 =	sld [smem:$0x3FFD];
	_ =	sdelay $0x3  }
0x96: {  	_ =	strace s3  }
0x97: {  	_ =	strace $0x8FFFFFFF  }
0x98: {  	s19 =	sld [smem:$0x3FDB];
	_ =	sdelay $0x1  }
0x99: {  	s4 =	simm.s32 $_scs_section_size  }
0x9a: {  	s5 =	simm.s32 $_size__tile_overlayer_lowered;
	s6 =	simm.s32 $_tile_overlayer_lowered  }
0x9b: {  	s22 =	simm.s32 $0x1BFF;
	s21 =	sshll.u32 s6, $0x1;
	s3 =	sadd.s32 s4, s19  }
0x9c: {  	s7 =	simm.s32 $0x0;
	s20 =	sshll.u32 s5, $0x1;
	s5 =	sadd.s32 s21, s3  }
0x9d: {  	[timem:s7], [sflag:s22] =	dma.local [hbm:s5], s20  }
0x9e: {  	_ =	swait.ge [sflag:s22], s20  }
0x9f: {  	s4 =	ssub.s32 $0x0, s20;
	[sflag:s22] =	ssyncset.done $0x0  }
0xa0: {  	[sflag:s22] =	ssyncadd.s32 s4;
	_ =	sdelay $0x1  }
0xa1: {  	s23 =	simm.s32 $0x1B8B  }
0xa2: {  	_ =	swait.ge [sflag:s23], $0x1  }
0xa3: {  	[sflag:s23] =	ssyncset.done $0x0  }
0xa4: {  	s25 =	simm.s32 $0x1B8E;
	s24 =	sld [smem:$0x3FFE];
	[sflag:s23] =	ssyncadd.s32 $0xFFFFFFFF  }
0xa5: {  	s26 =	simm.s32 $execute0_lowered;
	[smem:$0x3FD2] =	sst s25  }
0xa6: {  	s5 =	sshll.u32 s26, $0x1;
	_ =	strace $0x80000049;
	[dreg:$0x1] =	wrdreg $0xFFFFFFFF  }
0xa7: {  	s28 =	simm.s32 $_size_execute0_lowered;
	s3 =	sadd.s32 s3, s5;
	[dreg:$0x0] =	wrdreg $0x0  }
0xa8: {  	s5 =	sshll.u32 s28, $0x1;
	[dreg:$0x2] =	wrdreg s3  }
0xa9: {  	[dreg:$0x3] =	wrdreg s5  }
0xaa: {  	[dreg:$0x4] =	wrdreg $0xC0  }
0xab: {  	_ =	task [dreg:s7], $0x5FFFF  }
0xac: {  	[dreg:$0x1] =	wrdreg $0xFFFFFFFF  }
0xad: {  	[dreg:$0x0] =	wrdreg $0x60  }
0xae: {  	[dreg:$0x2] =	wrdreg s2  }
0xaf: {  	[dreg:$0x3] =	wrdreg s24  }
0xb0: {  	[dreg:$0x4] =	wrdreg $0xA8000  }
0xb1: {  	[dreg:$0x5] =	wrdreg $0x9  }
0xb2: {  	_ =	task.clear_ibuf [dreg:s7], $0x6FFFF;
	_ =	strace $0x90000049  }
0xb3: {  	s29 =	simm.s32 $0x9;
	_ =	strace $0x8000004B  }
0xb4: {  	_ =	swait.ge [sflag:s29], $0x1  }
0xb5: {  	[sflag:s29] =	ssyncadd.s32 $0xFFFFFFFF  }
0xb6: {  	_ =	strace $0x9000004B  }
0xb7: {  	_ =	sfence  }
0xb8: {  	s30 =	sld [smem:$0x0];
	_ =	sdelay $0x2  }
0xb9: {  	s31 =	sshll.u32 s1, $0xD;
	s1 =	sshrl.u32 s1, $0x2  }
0xba: {  	s3 =	sand.u32 $0x4000, s31;
	s1 =	sadd.s32 s1, s30  }
0xbb: {  	s0 =	sor.u32 s3, s0;
	s1 =	sshll.u32 s1, $0x11  }
0xbc: {  	s0 =	sor.u32 s1, s0  }
0xbd: {  	s0 =	sadd.s32 $0x8F2B, s0  }
0xbe: {  	[sflag:s0] =	ssyncadd.remote.s32 $0x1  }
0xbf: {  	_ =	sfence.sel $0xFFFF  }
0xc0: {  	[dreg:$0x0] =	wrdreg $0xFFFFFFFF;
	(pc) =	sbr.abs _section_cstart, $3  }
0xc1: {  	[dreg:$0x1] =	wrdreg $0xFFFFFFFF  }
0xc2: {  	_ =	task.clear_ibuf [dreg:s7], $0x2FFFF;
	_ =	strace $0x9FFFFFFF  }
0xc3: {  	(tm) =	ssettm $0x7FFFFFFF  }
tec
execute0_lowered:
.L_overlay_start_1:
0x0: {  	(tag) =	ssettag $0x1  }
0x1: {  	s2 =	rddreg [dreg:$0x0]  }
0x2: {  	s5 =	rddreg [dreg:$0x1]  }
0x3: {  	s3 =	rddreg [dreg:$0x2]  }
0x4: {  	s0 =	rddreg [dreg:$0x3];
	s1 =	stileid.u32  }
0x5: {  	s6 =	srdreg.scid;
	s4 =	simm.s32 $0x0;
	s16 =	simm.s32 $0x80  }
0x6: {  	s17 =	simm.s32 $0x2800;
	s18 =	simm.s32 $0x6800;
	s19 =	simm.s32 $0x1  }
0x7: {  	s20 =	simm.s32 $0x2;
	s21 =	simm.s32 $0x2700;
	s22 =	simm.s32 $0x2780  }
0x8: {  	s23 =	simm.s32 $0x0;
	s7 =	smul.u32 $0x13C00, s1;
	s6 =	sand.u32 $0x1, s6  }
0x9: {  	[smem:$0x7FF] =	sst s4;
	s9 =	sadd.s32 $0x82E00, s5;
	s11 =	sadd.s32 $0x2600, s5  }
0xa: {  	s26 =	smul.u32 $0x4F000, s1;
	s12 =	sshll.u32 s1, $0x1;
	s30 =	sshll.u32 s1, $0x6  }
0xb: {  	s8 =	smul.u32 $0x13C000, s6;
	_ =	strace $0x8000004A;
	s28 =	ssub.s32 $0x2, s6  }
0xc: {  	s6 =	sor.u32 s6, s12;
	s10 =	sshrl.u32 s7, $0x3;
	s29 =	sshrl.u32 s28, $0x1  }
0xd: {  	s12 =	smul.u32 $0x2800, s6;
	s6 =	sor.u32 $0x1C03, s30;
	s10 =	sadd.s32 s10, s5  }
0xe: {  	s7 =	sadd.s32 s7, s8;
	s8 =	sshrl.u32 s26, $0x2;
	s14 =	ssub.s32 s28, s29  }
0xf: {  	s7 =	sshrl.u32 s7, $0x3;
	s15 =	sadd.s32 s8, s3;
	s31 =	sshrl.u32 s12, $0x3  }
0x10: {  	s12 =	smax.u32 s14, $0x1;
	s14 =	simm.s32 $0x3;
	s13 =	sadd.s32 s7, s5  }
0x11: {  	s5 =	sadd.s32 $0xC600, s10;
	s7 =	sadd.s32 s9, s31;
	s10 =	sadd.s32 $0x280, s31  }
0x12: {  	s8 =	sadd.s32 s11, s31;
	s9 =	sadd.s32 s9, s10;
	s10 =	sadd.s32 s11, s10  }
0x13: {  	s11 =	sadd.s32 $0x33E00, s13;
	s13 =	sshrl.u32 s15, $0x3;
	s15 =	simm.s32 $0x1400  }
.LBB2_1:
0x14: {  	[spmem:s13], [sflag:s6] =	dma.local [hbm:s5], $0x2780  }
0x15: {  	_ =	swait.ge [sflag:s14], $0x2780  }
0x16: {  	[sflag:s14] =	ssyncset.done $0x0  }
0x17: {  	[sflag:s14] =	ssyncadd.s32 $0xFFFFD880  }
0x18: {  	[bflag:$0x0] =	sbarrier.arrive $0xFFFF  }
0x19: {  	[tilespmem:s4], [sflag:$0x3] =	stream.linear.gather [hbm4b:s7+s4], $0x1400, $0x38;
	[tilespmem:$0x1E400] =	vst v63  }
0x1a: {  	_ =	swait.ge [sflag:s14], $0x1400  }
0x1b: {  	[sflag:s14] =	ssyncset.done $0x0  }
0x1c: {  	[sflag:s14] =	ssyncadd.s32 $0xFFFFEC00  }
0x1d: {  	[tilespmem:s15], [sflag:$0x3] =	stream.linear.gather [hbm4b:s8+s4], $0x1400, $0x38;
	[tilespmem:$0x1E400] =	vst v63  }
0x1e: {  	_ =	swait.ge [sflag:s14], $0x1400  }
0x1f: {  	[sflag:s14] =	ssyncset.done $0x0  }
0x20: {  	[sflag:s14] =	ssyncadd.s32 $0xFFFFEC00  }
0x21: {  	[tilespmem:s17], [sflag:$0x1] =	stream.indirect.gather [hbm4b:s2+s16], $0x80, s4, s16, $0xb8;
	[tilespmem:$0x1E400] =	vst v63  }
0x22: {  	_ = 	snop  }
0x23: {  	[tilespmem:s18], [sflag:$0x2] =	stream.indirect.gather [hbm4b:s2+s16], $0x80, s16, s16, $0xb8;
	[tilespmem:$0x1E400] =	vst v63  }
0x24: {  	_ =	swait.ge [sflag:s19], $0x4000  }
0x25: {  	[sflag:s19] =	ssyncset.done $0x0  }
0x26: {  	s24 =	simm.s32 $0x1400;
	[sflag:s19] =	ssyncadd.s32 $0xFFFFC000  }
0x27: {  	[spmem:s3] =	stream.indirect.scatter.add.f32 [tilespmem:s17], [sflag:$0x3], $0x80, s24, s16, $0xb8;
	[tilespmem:$0x1E400] =	vst v63  }
0x28: {  	_ =	swait.ge [sflag:s14], $0x4000  }
0x29: {  	[sflag:s14] =	ssyncset.done $0x0  }
0x2a: {  	s30 =	simm.s32 $0x100;
	[sflag:s14] =	ssyncadd.s32 $0xFFFFC000  }
0x2b: {  	[tilespmem:s17], [sflag:$0x1] =	stream.indirect.gather [hbm4b:s2+s16], $0x80, s30, s16, $0xb8;
	[tilespmem:$0x1E400] =	vst v63  }
0x2c: {  	_ =	swait.ge [sflag:s20], $0x4000  }
0x2d: {  	[sflag:s20] =	ssyncset.done $0x0  }
0x2e: {  	s31 =	simm.s32 $0x1480;
	[sflag:s20] =	ssyncadd.s32 $0xFFFFC000  }
0x2f: {  	[spmem:s3] =	stream.indirect.scatter.add.f32 [tilespmem:s18], [sflag:$0x3], $0x80, s31, s16, $0xb8;
	[tilespmem:$0x1E400] =	vst v63  }
0x30: {  	_ =	swait.ge [sflag:s14], $0x4000  }
0x31: {  	[sflag:s14] =	ssyncset.done $0x0  }
0x32: {  	s25 =	simm.s32 $0x180;
	s24 =	simm.s32 $0x400;
	[sflag:s14] =	ssyncadd.s32 $0xFFFFC000  }
.LBB2_2:
0x33: {  	[tilespmem:s18], [sflag:$0x2] =	stream.indirect.gather [hbm4b:s2+s16], $0x80, s25, s16, $0xb8;
	[tilespmem:$0x1E400] =	vst v63  }
0x34: {  	s25 =	smov.u32 s24  }
0x35: {  	p0 =	sne.s32 s24, $0x4800;
	s24 =	sadd.s32 $0x400, s24;
	_ =	swait.ge [sflag:s19], $0x4000  }
0x36: {  	s25 =	sshra.s32 s25, $0x2;
	[sflag:s19] =	ssyncset.done $0x0  }
0x37: {  	s26 =	sadd.s32 $0x1400, s25;
	[sflag:s19] =	ssyncadd.s32 $0xFFFFC000  }
0x38: {  	[spmem:s3] =	stream.indirect.scatter.add.f32 [tilespmem:s17], [sflag:$0x3], $0x80, s26, s16, $0xb8;
	[tilespmem:$0x1E400] =	vst v63  }
0x39: {  	_ =	swait.ge [sflag:s14], $0x4000  }
0x3a: {  	[sflag:s14] =	ssyncset.done $0x0  }
0x3b: {  	s26 =	sadd.s32 $0x100, s25;
	[sflag:s14] =	ssyncadd.s32 $0xFFFFC000  }
0x3c: {  	[tilespmem:s17], [sflag:$0x1] =	stream.indirect.gather [hbm4b:s2+s16], $0x80, s26, s16, $0xb8;
	[tilespmem:$0x1E400] =	vst v63  }
0x3d: {  	_ =	swait.ge [sflag:s20], $0x4000  }
0x3e: {  	[sflag:s20] =	ssyncset.done $0x0  }
.Ltmp0:
0x3f: {  	s26 =	sadd.s32 $0x1480, s25;
	[sflag:s20] =	ssyncadd.s32 $0xFFFFC000;
	(pc) =	sbr.rel @p0 .LBB2_2-.Ltmp0, $4  }
0x40: {  	[spmem:s3] =	stream.indirect.scatter.add.f32 [tilespmem:s18], [sflag:$0x3], $0x80, s26, s16, $0xb8;
	[tilespmem:$0x1E400] =	vst v63  }
0x41: {  	_ =	swait.ge [sflag:s14], $0x4000  }
0x42: {  	[sflag:s14] =	ssyncset.done $0x0  }
0x43: {  	s25 =	sadd.s32 $0x180, s25;
	[sflag:s14] =	ssyncadd.s32 $0xFFFFC000  }
0x44: {  	[tilespmem:s18], [sflag:$0x2] =	stream.indirect.gather [hbm4b:s2+s16], $0x80, s25, s16, $0xb8;
	[tilespmem:$0x1E400] =	vst v63  }
0x45: {  	_ =	swait.ge [sflag:s19], $0x4000  }
0x46: {  	[sflag:s19] =	ssyncset.done $0x0  }
0x47: {  	[sflag:s19] =	ssyncadd.s32 $0xFFFFC000  }
0x48: {  	[spmem:s3] =	stream.indirect.scatter.add.f32 [tilespmem:s17], [sflag:$0x3], $0x80, s21, s16, $0xb8;
	[tilespmem:$0x1E400] =	vst v63  }
0x49: {  	_ =	swait.ge [sflag:s14], $0x4000  }
0x4a: {  	[sflag:s14] =	ssyncset.done $0x0  }
0x4b: {  	[sflag:s14] =	ssyncadd.s32 $0xFFFFC000  }
0x4c: {  	_ =	swait.ge [sflag:s20], $0x4000  }
0x4d: {  	[sflag:s20] =	ssyncset.done $0x0  }
0x4e: {  	[sflag:s20] =	ssyncadd.s32 $0xFFFFC000  }
0x4f: {  	[spmem:s3] =	stream.indirect.scatter.add.f32 [tilespmem:s18], [sflag:$0x3], $0x80, s22, s16, $0xb8;
	[tilespmem:$0x1E400] =	vst v63  }
0x50: {  	_ =	swait.ge [sflag:s14], $0x4000  }
0x51: {  	[sflag:s14] =	ssyncset.done $0x0  }
0x52: {  	s24 =	simm.s32 $0x0;
	[sflag:s14] =	ssyncadd.s32 $0xFFFFC000  }
0x53: {  	[tilespmem:s24], [sflag:$0x3] =	stream.linear.gather [hbm4b:s9+s24], $0x1400, $0x38;
	[tilespmem:$0x1E400] =	vst v63  }
0x54: {  	_ =	swait.ge [sflag:s14], $0x1400  }
0x55: {  	[sflag:s14] =	ssyncset.done $0x0  }
0x56: {  	[sflag:s14] =	ssyncadd.s32 $0xFFFFEC00  }
0x57: {  	[tilespmem:s15], [sflag:$0x3] =	stream.linear.gather [hbm4b:s10+s24], $0x1400, $0x38;
	[tilespmem:$0x1E400] =	vst v63  }
0x58: {  	_ =	swait.ge [sflag:s14], $0x1400  }
0x59: {  	[sflag:s14] =	ssyncset.done $0x0  }
0x5a: {  	[sflag:s14] =	ssyncadd.s32 $0xFFFFEC00  }
0x5b: {  	[tilespmem:s17], [sflag:$0x1] =	stream.indirect.gather [hbm4b:s2+s16], $0x80, s24, s16, $0xb8;
	[tilespmem:$0x1E400] =	vst v63  }
0x5c: {  	_ = 	snop  }
0x5d: {  	[tilespmem:s18], [sflag:$0x2] =	stream.indirect.gather [hbm4b:s2+s16], $0x80, s16, s16, $0xb8;
	[tilespmem:$0x1E400] =	vst v63  }
0x5e: {  	_ =	swait.ge [sflag:s19], $0x4000  }
0x5f: {  	[sflag:s19] =	ssyncset.done $0x0  }
0x60: {  	s29 =	simm.s32 $0x1400;
	[sflag:s19] =	ssyncadd.s32 $0xFFFFC000  }
0x61: {  	[spmem:s3] =	stream.indirect.scatter.add.f32 [tilespmem:s17], [sflag:$0x3], $0x80, s29, s16, $0xb8;
	[tilespmem:$0x1E400] =	vst v63  }
0x62: {  	_ =	swait.ge [sflag:s14], $0x4000  }
0x63: {  	[sflag:s14] =	ssyncset.done $0x0  }
0x64: {  	s30 =	simm.s32 $0x100;
	[sflag:s14] =	ssyncadd.s32 $0xFFFFC000  }
0x65: {  	[tilespmem:s17], [sflag:$0x1] =	stream.indirect.gather [hbm4b:s2+s16], $0x80, s30, s16, $0xb8;
	[tilespmem:$0x1E400] =	vst v63  }
0x66: {  	_ =	swait.ge [sflag:s20], $0x4000  }
0x67: {  	[sflag:s20] =	ssyncset.done $0x0  }
0x68: {  	s31 =	simm.s32 $0x1480;
	[sflag:s20] =	ssyncadd.s32 $0xFFFFC000  }
0x69: {  	[spmem:s3] =	stream.indirect.scatter.add.f32 [tilespmem:s18], [sflag:$0x3], $0x80, s31, s16, $0xb8;
	[tilespmem:$0x1E400] =	vst v63  }
0x6a: {  	_ =	swait.ge [sflag:s14], $0x4000  }
0x6b: {  	[sflag:s14] =	ssyncset.done $0x0  }
0x6c: {  	s25 =	simm.s32 $0x180;
	s24 =	simm.s32 $0x400;
	[sflag:s14] =	ssyncadd.s32 $0xFFFFC000  }
.LBB2_4:
0x6d: {  	[tilespmem:s18], [sflag:$0x2] =	stream.indirect.gather [hbm4b:s2+s16], $0x80, s25, s16, $0xb8;
	[tilespmem:$0x1E400] =	vst v63  }
0x6e: {  	s25 =	smov.u32 s24  }
0x6f: {  	p0 =	sne.s32 s24, $0x4800;
	s24 =	sadd.s32 $0x400, s24;
	_ =	swait.ge [sflag:s19], $0x4000  }
0x70: {  	s25 =	sshra.s32 s25, $0x2;
	[sflag:s19] =	ssyncset.done $0x0  }
0x71: {  	s26 =	sadd.s32 $0x1400, s25;
	[sflag:s19] =	ssyncadd.s32 $0xFFFFC000  }
0x72: {  	[spmem:s3] =	stream.indirect.scatter.add.f32 [tilespmem:s17], [sflag:$0x3], $0x80, s26, s16, $0xb8;
	[tilespmem:$0x1E400] =	vst v63  }
0x73: {  	_ =	swait.ge [sflag:s14], $0x4000  }
0x74: {  	[sflag:s14] =	ssyncset.done $0x0  }
0x75: {  	s26 =	sadd.s32 $0x100, s25;
	[sflag:s14] =	ssyncadd.s32 $0xFFFFC000  }
0x76: {  	[tilespmem:s17], [sflag:$0x1] =	stream.indirect.gather [hbm4b:s2+s16], $0x80, s26, s16, $0xb8;
	[tilespmem:$0x1E400] =	vst v63  }
0x77: {  	_ =	swait.ge [sflag:s20], $0x4000  }
0x78: {  	[sflag:s20] =	ssyncset.done $0x0  }
.Ltmp1:
0x79: {  	s26 =	sadd.s32 $0x1480, s25;
	[sflag:s20] =	ssyncadd.s32 $0xFFFFC000;
	(pc) =	sbr.rel @p0 .LBB2_4-.Ltmp1, $4  }
0x7a: {  	[spmem:s3] =	stream.indirect.scatter.add.f32 [tilespmem:s18], [sflag:$0x3], $0x80, s26, s16, $0xb8;
	[tilespmem:$0x1E400] =	vst v63  }
0x7b: {  	_ =	swait.ge [sflag:s14], $0x4000  }
0x7c: {  	[sflag:s14] =	ssyncset.done $0x0  }
0x7d: {  	s25 =	sadd.s32 $0x180, s25;
	[sflag:s14] =	ssyncadd.s32 $0xFFFFC000  }
0x7e: {  	[tilespmem:s18], [sflag:$0x2] =	stream.indirect.gather [hbm4b:s2+s16], $0x80, s25, s16, $0xb8;
	[tilespmem:$0x1E400] =	vst v63  }
0x7f: {  	_ =	swait.ge [sflag:s19], $0x4000  }
0x80: {  	[sflag:s19] =	ssyncset.done $0x0  }
0x81: {  	[sflag:s19] =	ssyncadd.s32 $0xFFFFC000  }
0x82: {  	[spmem:s3] =	stream.indirect.scatter.add.f32 [tilespmem:s17], [sflag:$0x3], $0x80, s21, s16, $0xb8;
	[tilespmem:$0x1E400] =	vst v63  }
0x83: {  	_ =	swait.ge [sflag:s14], $0x4000  }
0x84: {  	[sflag:s14] =	ssyncset.done $0x0  }
0x85: {  	[sflag:s14] =	ssyncadd.s32 $0xFFFFC000  }
0x86: {  	_ =	swait.ge [sflag:s20], $0x4000  }
0x87: {  	[sflag:s20] =	ssyncset.done $0x0  }
0x88: {  	[sflag:s20] =	ssyncadd.s32 $0xFFFFC000  }
0x89: {  	[spmem:s3] =	stream.indirect.scatter.add.f32 [tilespmem:s18], [sflag:$0x3], $0x80, s22, s16, $0xb8;
	[tilespmem:$0x1E400] =	vst v63  }
0x8a: {  	_ =	swait.ge [sflag:s14], $0x4000  }
0x8b: {  	s23 =	sadd.s32 $0x1, s23;
	[sflag:s14] =	ssyncset.done $0x0  }
0x8c: {  	p0 =	sne.s32 s23, s12;
	[sflag:s14] =	ssyncadd.s32 $0xFFFFC000  }
.Ltmp2:
0x8d: {  	[bflag:$0x0] =	sbarrier.arrive $0xFFFF;
	(pc) =	sbr.rel @p0 .LBB2_1-.Ltmp2, $4  }
0x8e: {  	[hbm:s11], [sflag:s6] =	dma.local [spmem:s13], $0x2780  }
0x8f: {  	_ =	swait.ge [sflag:s14], $0x2780  }
0x90: {  	[sflag:s14] =	ssyncset.done $0x0  }
0x91: {  	[sflag:s14] =	ssyncadd.s32 $0xFFFFD880  }
0x92: {  	_ =	sfence.sel $0x180000  }
0x93: {  	[bflag:$0x0] =	sbarrier.arrive $0xFFFF  }
0x94: {  	p0 =	sne.s32 s1, $0x0;
	_ =	strace $0x9000004A  }
0x95: {  	s0 =	sadd.s32 @!p0 $0x100000, s0;
	[bflag:$0x2] =	sbarrier.arrive $0xFFFF  }
0x96: {  	[sflag:s0] =	ssyncadd.tile.s32 @!p0 $0x1;
	_ =	shalt  }
.Lfunc_end2:
_tile_overlayer_lowered:
.L_overlay_start_2:
0x97: {  	(tag) =	ssettag $0x2  }
0x98: {  	s0 =	rddreg [dreg:$0x0];
	s2 =	stileid.u32  }
0x99: {  	s1 =	rddreg [dreg:$0x1];
	p0 =	sne.s32 s2, $0x0  }
0x9a: {  	s3 =	rddreg [dreg:$0x2];
	[bflag:$0x3] =	sbarrier.arrive $0xFFFF;
	s2 =	simm.s32 @!p0 $0x1C03  }
0x9b: {  	[timem:s3], [sflag:s2] =	dma.local @!p0 [hbm:s0], s1  }
0x9c: {  	s0 =	simm.s32 @!p0 $0x3  }
0x9d: {  	_ =	swait.ge @!p0 [sflag:s0], s1  }
0x9e: {  	s1 =	ssub.s32 @!p0 $0x0, s1;
	[sflag:s0] =	ssyncset.done @!p0 $0x0  }
0x9f: {  	[sflag:s0] =	ssyncadd.s32 @!p0 s1  }
0xa0: {  	[bflag:$0x3] =	sbarrier.arrive $0xFFFF  }
0xa1: {  	_ =	shalt  }

// kernel: kernel.15.cloned.1.call-start
scs
__scs_entry_jumppad:
0x0: {  	(pc) =	sbr.rel $0x88, $3  }
0x1: {  	(tag) =	ssettag $0x0;
	lr =	simm.s32 $0x1  }
0x2: {  	[smem:$0x3F9B] =	sst lr;
	_ =	strace $0xD0000000  }
0x3: {  	_ = 	snop  }
0x4: {  	_ = 	snop  }
0x5: {  	_ = 	snop  }
0x6: {  	_ = 	snop  }
0x7: {  	_ = 	snop  }
__scs_overlays_trampoline_lowered:
0x8: {  	[smem:$0x3FAA] =	sst s0  }
0x9: {  	[smem:$0x3FAB] =	sst s1  }
0xa: {  	[smem:$0x3FAC] =	sst s2  }
0xb: {  	[smem:$0x3FAD] =	sst s3  }
0xc: {  	[smem:$0x3FAE] =	sst s4  }
0xd: {  	[smem:$0x3FAF] =	sst s5  }
0xe: {  	[smem:$0x3FB0] =	sst s6  }
0xf: {  	[smem:$0x3FB1] =	sst s7  }
0x10: {  	[smem:$0x3FB2] =	sst s8  }
0x11: {  	[smem:$0x3FB3] =	sst s9;
	s0 =	simm.s32 @!p0 $0x0  }
0x12: {  	s1 =	sld [smem:$0x3F99];
	s0 =	simm.s32 @p0 $0x1  }
0x13: {  	[smem:$0x3FB4] =	sst s0;
	s0 =	simm.s32 @!p1 $0x0  }
0x14: {  	s2 =	sld [smem:$0x3F98];
	s0 =	simm.s32 @p1 $0x1  }
0x15: {  	[smem:$0x3FB5] =	sst s0;
	s0 =	simm.s32 @!p2 $0x0  }
0x16: {  	s3 =	sld [smem:$0x3FDB];
	s0 =	simm.s32 @p2 $0x1  }
0x17: {  	s4 =	simm.s32 $0x1BF5;
	[smem:$0x3FB7] =	sst s0  }
0x18: {  	s0 =	sld [smem:$0x3F9A];
	_ =	swait.ge [sflag:s4], $0x0  }
0x19: {  	s7 =	sld [smem:$0x3F9B]  }
0x1a: {  	s8 =	sadd.s32 $0xFFFFE003, lr  }
0x1b: {  	s9 =	sadd.s32 $0xFFFFFEF7, lr;
	s5 =	simm.s32 $0xFFFFFFFF;
	p2 =	slt.u32 s8, $0xFFFFF086  }
0x1c: {  	p1 =	slt.u32 s9, $0xF7A;
	s5 =	simm.s32 @!p2 $0x0  }
0x1d: {  	s5 =	simm.s32 @p1 $0x1;
	p0 =	seq.s32 s7, s2  }
0x1e: {  	s7 =	smul.u32 @!p0 $0xF7A, s2;
	p2 =	seq.s32 @!p0 s5, $0x0  }
0x1f: {  	s9 =	smul.u32 $0xF7A, s1;
	s8 =	simm.s32 @!p0 $0x1BF5;
	p2 =	por !p2, p0  }
0x20: {  	[sflag:s8] =	ssyncset.s32 @!p0 $0xFFFFF086;
	s6 =	sadd.s32 @!p0 s3, s7;
	s7 =	simm.s32 @!p0 $0x108  }
0x21: {  	s3 =	sadd.s32 s3, s9;
	s6 =	sadd.s32 @!p0 $0x88, s6;
	s7 =	simm.s32 @p2 $0x1082  }
0x22: {  	[simem:s7], [sflag:s8] =	dma.local @!p0 [hbm:s6], $0xF7A  }
0x23: {  	s9 =	sor.u32 $0xD0000000, s2;
	s6 =	simm.s32 $0x108;
	_ =	swait.ge @!p0 [sflag:s8], $0x0  }
0x24: {  	s3 =	sadd.s32 $0x88, s3;
	s6 =	simm.s32 @!p1 $0x1082;
	[sflag:s4] =	ssyncset.s32 $0xFFFFF086  }
0x25: {  	[simem:s6], [sflag:s4] =	dma.local [hbm:s3], $0xF7A  }
0x26: {  	[smem:$0x3F9B] =	sst s1;
	(tag) =	ssettag s2;
	_ =	strace s9  }
0x27: {  	s1 =	sld [smem:$0x3FAB]  }
0x28: {  	s2 =	sld [smem:$0x3FAC]  }
0x29: {  	s4 =	sld [smem:$0x3FAE]  }
0x2a: {  	p0 =	seq.s32 s5, $0x0;
	s5 =	sld [smem:$0x3FAF]  }
0x2b: {  	s6 =	sld [smem:$0x3FB0]  }
0x2c: {  	s7 =	sld [smem:$0x3FB1]  }
0x2d: {  	s3 =	simm.s32 $0x108;
	s8 =	sld [smem:$0x3FB2]  }
0x2e: {  	s3 =	simm.s32 @!p0 $0x1082;
	s9 =	sld [smem:$0x3FB3]  }
0x2f: {  	lr =	sadd.s32 s0, s3;
	s0 =	sld [smem:$0x3FAA]  }
0x30: {  	s3 =	sld [smem:$0x3FAD]  }
0x31: {  	[smem:$0x3FB6] =	sst s10  }
0x32: {  	s10 =	sld [smem:$0x3FB4];
	_ =	sdelay $0x3  }
0x33: {  	p0 =	seq.s32 s10, $0x1;
	s10 =	sld [smem:$0x3FB6];
	_ =	sdelay $0x3  }
0x34: {  	[smem:$0x3FB6] =	sst s10  }
0x35: {  	s10 =	sld [smem:$0x3FB5];
	_ =	sdelay $0x3  }
0x36: {  	p1 =	seq.s32 s10, $0x1;
	s10 =	sld [smem:$0x3FB6];
	_ =	sdelay $0x3  }
0x37: {  	[smem:$0x3FB6] =	sst s10  }
0x38: {  	s10 =	sld [smem:$0x3FB7]  }
0x39: {  	_ = 	snop;
	(pc) =	sbr.ind lr, $3  }
0x3a: {  	_ = 	snop  }
0x3b: {  	_ = 	snop  }
0x3c: {  	p2 =	seq.s32 s10, $0x1;
	s10 =	sld [smem:$0x3FB6]  }
0x3d: {  	_ =	shalt  }
0x3e: {  	_ =	shalt  }
0x3f: {  	_ =	shalt  }
0x40: {  	_ =	shalt  }
0x41: {  	_ =	shalt  }
0x42: {  	_ =	shalt  }
0x43: {  	_ =	shalt  }
0x44: {  	_ =	shalt  }
0x45: {  	_ =	shalt  }
0x46: {  	_ =	shalt  }
0x47: {  	_ =	shalt  }
0x48: {  	_ =	shalt  }
0x49: {  	_ =	shalt  }
0x4a: {  	_ =	shalt  }
0x4b: {  	_ =	shalt  }
0x4c: {  	_ =	shalt  }
0x4d: {  	_ =	shalt  }
0x4e: {  	_ =	shalt  }
0x4f: {  	_ =	shalt  }
0x50: {  	_ =	shalt  }
0x51: {  	_ =	shalt  }
0x52: {  	_ =	shalt  }
0x53: {  	_ =	shalt  }
0x54: {  	_ =	shalt  }
0x55: {  	_ =	shalt  }
0x56: {  	_ =	shalt  }
0x57: {  	_ =	shalt  }
0x58: {  	_ =	shalt  }
0x59: {  	_ =	shalt  }
0x5a: {  	_ =	shalt  }
0x5b: {  	_ =	shalt  }
0x5c: {  	_ =	shalt  }
0x5d: {  	_ =	shalt  }
0x5e: {  	_ =	shalt  }
0x5f: {  	_ =	shalt  }
0x60: {  	_ =	shalt  }
0x61: {  	_ =	shalt  }
0x62: {  	_ =	shalt  }
0x63: {  	_ =	shalt  }
0x64: {  	_ =	shalt  }
0x65: {  	_ =	shalt  }
0x66: {  	_ =	shalt  }
0x67: {  	_ =	shalt  }
0x68: {  	_ =	shalt  }
0x69: {  	_ =	shalt  }
0x6a: {  	_ =	shalt  }
0x6b: {  	_ =	shalt  }
0x6c: {  	_ =	shalt  }
0x6d: {  	_ =	shalt  }
0x6e: {  	_ =	shalt  }
0x6f: {  	_ =	shalt  }
0x70: {  	_ =	shalt  }
0x71: {  	_ =	shalt  }
0x72: {  	_ =	shalt  }
0x73: {  	_ =	shalt  }
0x74: {  	_ =	shalt  }
0x75: {  	_ =	shalt  }
0x76: {  	_ =	shalt  }
0x77: {  	_ =	shalt  }
0x78: {  	_ =	shalt  }
0x79: {  	_ =	shalt  }
0x7a: {  	_ =	shalt  }
0x7b: {  	_ =	shalt  }
0x7c: {  	_ =	shalt  }
0x7d: {  	_ =	shalt  }
0x7e: {  	_ =	shalt  }
0x7f: {  	_ =	shalt  }
0x80: {  	_ =	shalt  }
0x81: {  	_ =	shalt  }
0x82: {  	_ =	shalt  }
0x83: {  	_ =	shalt  }
0x84: {  	_ =	shalt  }
0x85: {  	_ =	shalt  }
0x86: {  	_ =	shalt  }
0x87: {  	_ =	shalt  }
.Lfunc_end0:
.L_simem_size_0:
called_computation.2_lowered:
.L_overlay_start_0:
0x88: {  	s2 =	sld [smem:$0x3FD9]  }
0x89: {  	s3 =	sld [smem:$0x3FFE];
	_ =	sdelay $0x1  }
0x8a: {  	s1 =	srdreg.scid  }
0x8b: {  	s0 =	sand.u32 $0x1, s1  }
0x8c: {  	s17 =	sshll.u32 s0, $0xA;
	s2 =	sadd.s32 s3, s2  }
0x8d: {  	s2 =	sadd.s32 s2, s17  }
0x8e: {  	[smem:$0x3FC2] =	sst s2  }
0x8f: {  	_ = 	snop  }
0x90: {  	s2 =	sld [smem:$0x3FD0];
	(tm) =	ssettm $0x1  }
0x91: {  	s18 =	sld [smem:$0x3FFB];
	_ =	sdelay $0x3  }
0x92: {  	_ =	strace s18  }
0x93: {  	s3 =	sld [smem:$0x3FFC];
	_ =	sdelay $0x3  }
0x94: {  	_ =	strace s3  }
0x95: {  	s3 =	sld [smem:$0x3FFD];
	_ =	sdelay $0x3  }
0x96: {  	_ =	strace s3  }
0x97: {  	_ =	strace $0x8FFFFFFF  }
0x98: {  	s19 =	sld [smem:$0x3FDB];
	_ =	sdelay $0x1  }
0x99: {  	s4 =	simm.s32 $_scs_section_size  }
0x9a: {  	s5 =	simm.s32 $_size__tile_overlayer_lowered;
	s6 =	simm.s32 $_tile_overlayer_lowered  }
0x9b: {  	s22 =	simm.s32 $0x1BFF;
	s21 =	sshll.u32 s6, $0x1;
	s3 =	sadd.s32 s4, s19  }
0x9c: {  	s7 =	simm.s32 $0x0;
	s20 =	sshll.u32 s5, $0x1;
	s5 =	sadd.s32 s21, s3  }
0x9d: {  	[timem:s7], [sflag:s22] =	dma.local [hbm:s5], s20  }
0x9e: {  	_ =	swait.ge [sflag:s22], s20  }
0x9f: {  	s4 =	ssub.s32 $0x0, s20;
	[sflag:s22] =	ssyncset.done $0x0  }
0xa0: {  	[sflag:s22] =	ssyncadd.s32 s4;
	_ =	sdelay $0x1  }
0xa1: {  	s23 =	simm.s32 $0x1B8B  }
0xa2: {  	_ =	swait.ge [sflag:s23], $0x1  }
0xa3: {  	[sflag:s23] =	ssyncset.done $0x0  }
0xa4: {  	s25 =	simm.s32 $0x1B8E;
	s24 =	sld [smem:$0x3FFE];
	[sflag:s23] =	ssyncadd.s32 $0xFFFFFFFF  }
0xa5: {  	s26 =	simm.s32 $execute0_lowered;
	[smem:$0x3FD2] =	sst s25  }
0xa6: {  	s5 =	sshll.u32 s26, $0x1;
	_ =	strace $0x8000004C;
	[dreg:$0x1] =	wrdreg $0xFFFFFFFF  }
0xa7: {  	s28 =	simm.s32 $_size_execute0_lowered;
	s3 =	sadd.s32 s3, s5;
	[dreg:$0x0] =	wrdreg $0x0  }
0xa8: {  	s5 =	sshll.u32 s28, $0x1;
	[dreg:$0x2] =	wrdreg s3  }
0xa9: {  	[dreg:$0x3] =	wrdreg s5  }
0xaa: {  	[dreg:$0x4] =	wrdreg $0xC0  }
0xab: {  	_ =	task [dreg:s7], $0x5FFFF  }
0xac: {  	[dreg:$0x1] =	wrdreg $0xFFFFFFFF  }
0xad: {  	[dreg:$0x0] =	wrdreg $0x60  }
0xae: {  	[dreg:$0x2] =	wrdreg s2  }
0xaf: {  	[dreg:$0x3] =	wrdreg s24  }
0xb0: {  	[dreg:$0x4] =	wrdreg $0xA8000  }
0xb1: {  	[dreg:$0x5] =	wrdreg $0x9  }
0xb2: {  	_ =	task.clear_ibuf [dreg:s7], $0x6FFFF;
	_ =	strace $0x9000004C  }
0xb3: {  	s29 =	simm.s32 $0x9;
	_ =	strace $0x8000004E  }
0xb4: {  	_ =	swait.ge [sflag:s29], $0x1  }
0xb5: {  	[sflag:s29] =	ssyncadd.s32 $0xFFFFFFFF  }
0xb6: {  	_ =	strace $0x9000004E  }
0xb7: {  	_ =	sfence  }
0xb8: {  	s30 =	sld [smem:$0x0];
	_ =	sdelay $0x2  }
0xb9: {  	s31 =	sshll.u32 s1, $0xD;
	s1 =	sshrl.u32 s1, $0x2  }
0xba: {  	s3 =	sand.u32 $0x4000, s31;
	s1 =	sadd.s32 s1, s30  }
0xbb: {  	s0 =	sor.u32 s3, s0;
	s1 =	sshll.u32 s1, $0x11  }
0xbc: {  	s0 =	sor.u32 s1, s0  }
0xbd: {  	s0 =	sadd.s32 $0x8F2B, s0  }
0xbe: {  	[sflag:s0] =	ssyncadd.remote.s32 $0x1  }
0xbf: {  	_ =	sfence.sel $0xFFFF  }
0xc0: {  	[dreg:$0x0] =	wrdreg $0xFFFFFFFF;
	(pc) =	sbr.abs _section_cstart, $3  }
0xc1: {  	[dreg:$0x1] =	wrdreg $0xFFFFFFFF  }
0xc2: {  	_ =	task.clear_ibuf [dreg:s7], $0x2FFFF;
	_ =	strace $0x9FFFFFFF  }
0xc3: {  	(tm) =	ssettm $0x7FFFFFFF  }
tec
execute0_lowered:
.L_overlay_start_1:
0x0: {  	(tag) =	ssettag $0x1  }
0x1: {  	s2 =	rddreg [dreg:$0x0]  }
0x2: {  	s5 =	rddreg [dreg:$0x1]  }
0x3: {  	s3 =	rddreg [dreg:$0x2]  }
0x4: {  	s0 =	rddreg [dreg:$0x3];
	s1 =	stileid.u32  }
0x5: {  	s6 =	srdreg.scid;
	s4 =	simm.s32 $0x0;
	s16 =	simm.s32 $0x80  }
0x6: {  	s17 =	simm.s32 $0x2800;
	s18 =	simm.s32 $0x6800;
	s19 =	simm.s32 $0x1  }
0x7: {  	s20 =	simm.s32 $0x2;
	s21 =	simm.s32 $0x2700;
	s22 =	simm.s32 $0x2780  }
0x8: {  	s23 =	simm.s32 $0x0;
	s7 =	smul.u32 $0x13C00, s1;
	s6 =	sand.u32 $0x1, s6  }
0x9: {  	[smem:$0x7FF] =	sst s4;
	s9 =	sadd.s32 $0x82E00, s5;
	s11 =	sadd.s32 $0x2600, s5  }
0xa: {  	s26 =	smul.u32 $0x4F000, s1;
	s12 =	sshll.u32 s1, $0x1;
	s30 =	sshll.u32 s1, $0x6  }
0xb: {  	s8 =	smul.u32 $0x13C000, s6;
	_ =	strace $0x8000004D;
	s28 =	ssub.s32 $0x2, s6  }
0xc: {  	s6 =	sor.u32 s6, s12;
	s10 =	sshrl.u32 s7, $0x3;
	s29 =	sshrl.u32 s28, $0x1  }
0xd: {  	s12 =	smul.u32 $0x2800, s6;
	s6 =	sor.u32 $0x1C03, s30;
	s10 =	sadd.s32 s10, s5  }
0xe: {  	s7 =	sadd.s32 s7, s8;
	s8 =	sshrl.u32 s26, $0x2;
	s14 =	ssub.s32 s28, s29  }
0xf: {  	s7 =	sshrl.u32 s7, $0x3;
	s15 =	sadd.s32 s8, s3;
	s31 =	sshrl.u32 s12, $0x3  }
0x10: {  	s12 =	smax.u32 s14, $0x1;
	s14 =	simm.s32 $0x3;
	s13 =	sadd.s32 s7, s5  }
0x11: {  	s5 =	sadd.s32 $0xC600, s10;
	s7 =	sadd.s32 s9, s31;
	s10 =	sadd.s32 $0x280, s31  }
0x12: {  	s8 =	sadd.s32 s11, s31;
	s9 =	sadd.s32 s9, s10;
	s10 =	sadd.s32 s11, s10  }
0x13: {  	s11 =	sadd.s32 $0x33E00, s13;
	s13 =	sshrl.u32 s15, $0x3;
	s15 =	simm.s32 $0x1400  }
.LBB2_1:
0x14: {  	[spmem:s13], [sflag:s6] =	dma.local [hbm:s5], $0x2780  }
0x15: {  	_ =	swait.ge [sflag:s14], $0x2780  }
0x16: {  	[sflag:s14] =	ssyncset.done $0x0  }
0x17: {  	[sflag:s14] =	ssyncadd.s32 $0xFFFFD880  }
0x18: {  	[bflag:$0x0] =	sbarrier.arrive $0xFFFF  }
0x19: {  	[tilespmem:s4], [sflag:$0x3] =	stream.linear.gather [hbm4b:s7+s4], $0x1400, $0x38;
	[tilespmem:$0x1E400] =	vst v63  }
0x1a: {  	_ =	swait.ge [sflag:s14], $0x1400  }
0x1b: {  	[sflag:s14] =	ssyncset.done $0x0  }
0x1c: {  	[sflag:s14] =	ssyncadd.s32 $0xFFFFEC00  }
0x1d: {  	[tilespmem:s15], [sflag:$0x3] =	stream.linear.gather [hbm4b:s8+s4], $0x1400, $0x38;
	[tilespmem:$0x1E400] =	vst v63  }
0x1e: {  	_ =	swait.ge [sflag:s14], $0x1400  }
0x1f: {  	[sflag:s14] =	ssyncset.done $0x0  }
0x20: {  	[sflag:s14] =	ssyncadd.s32 $0xFFFFEC00  }
0x21: {  	[tilespmem:s17], [sflag:$0x1] =	stream.indirect.gather [hbm4b:s2+s16], $0x80, s4, s16, $0xb8;
	[tilespmem:$0x1E400] =	vst v63  }
0x22: {  	_ = 	snop  }
0x23: {  	[tilespmem:s18], [sflag:$0x2] =	stream.indirect.gather [hbm4b:s2+s16], $0x80, s16, s16, $0xb8;
	[tilespmem:$0x1E400] =	vst v63  }
0x24: {  	_ =	swait.ge [sflag:s19], $0x4000  }
0x25: {  	[sflag:s19] =	ssyncset.done $0x0  }
0x26: {  	s24 =	simm.s32 $0x1400;
	[sflag:s19] =	ssyncadd.s32 $0xFFFFC000  }
0x27: {  	[spmem:s3] =	stream.indirect.scatter.add.f32 [tilespmem:s17], [sflag:$0x3], $0x80, s24, s16, $0xb8;
	[tilespmem:$0x1E400] =	vst v63  }
0x28: {  	_ =	swait.ge [sflag:s14], $0x4000  }
0x29: {  	[sflag:s14] =	ssyncset.done $0x0  }
0x2a: {  	s30 =	simm.s32 $0x100;
	[sflag:s14] =	ssyncadd.s32 $0xFFFFC000  }
0x2b: {  	[tilespmem:s17], [sflag:$0x1] =	stream.indirect.gather [hbm4b:s2+s16], $0x80, s30, s16, $0xb8;
	[tilespmem:$0x1E400] =	vst v63  }
0x2c: {  	_ =	swait.ge [sflag:s20], $0x4000  }
0x2d: {  	[sflag:s20] =	ssyncset.done $0x0  }
0x2e: {  	s31 =	simm.s32 $0x1480;
	[sflag:s20] =	ssyncadd.s32 $0xFFFFC000  }
0x2f: {  	[spmem:s3] =	stream.indirect.scatter.add.f32 [tilespmem:s18], [sflag:$0x3], $0x80, s31, s16, $0xb8;
	[tilespmem:$0x1E400] =	vst v63  }
0x30: {  	_ =	swait.ge [sflag:s14], $0x4000  }
0x31: {  	[sflag:s14] =	ssyncset.done $0x0  }
0x32: {  	s25 =	simm.s32 $0x180;
	s24 =	simm.s32 $0x400;
	[sflag:s14] =	ssyncadd.s32 $0xFFFFC000  }
.LBB2_2:
0x33: {  	[tilespmem:s18], [sflag:$0x2] =	stream.indirect.gather [hbm4b:s2+s16], $0x80, s25, s16, $0xb8;
	[tilespmem:$0x1E400] =	vst v63  }
0x34: {  	s25 =	smov.u32 s24  }
0x35: {  	p0 =	sne.s32 s24, $0x4800;
	s24 =	sadd.s32 $0x400, s24;
	_ =	swait.ge [sflag:s19], $0x4000  }
0x36: {  	s25 =	sshra.s32 s25, $0x2;
	[sflag:s19] =	ssyncset.done $0x0  }
0x37: {  	s26 =	sadd.s32 $0x1400, s25;
	[sflag:s19] =	ssyncadd.s32 $0xFFFFC000  }
0x38: {  	[spmem:s3] =	stream.indirect.scatter.add.f32 [tilespmem:s17], [sflag:$0x3], $0x80, s26, s16, $0xb8;
	[tilespmem:$0x1E400] =	vst v63  }
0x39: {  	_ =	swait.ge [sflag:s14], $0x4000  }
0x3a: {  	[sflag:s14] =	ssyncset.done $0x0  }
0x3b: {  	s26 =	sadd.s32 $0x100, s25;
	[sflag:s14] =	ssyncadd.s32 $0xFFFFC000  }
0x3c: {  	[tilespmem:s17], [sflag:$0x1] =	stream.indirect.gather [hbm4b:s2+s16], $0x80, s26, s16, $0xb8;
	[tilespmem:$0x1E400] =	vst v63  }
0x3d: {  	_ =	swait.ge [sflag:s20], $0x4000  }
0x3e: {  	[sflag:s20] =	ssyncset.done $0x0  }
.Ltmp0:
0x3f: {  	s26 =	sadd.s32 $0x1480, s25;
	[sflag:s20] =	ssyncadd.s32 $0xFFFFC000;
	(pc) =	sbr.rel @p0 .LBB2_2-.Ltmp0, $4  }
0x40: {  	[spmem:s3] =	stream.indirect.scatter.add.f32 [tilespmem:s18], [sflag:$0x3], $0x80, s26, s16, $0xb8;
	[tilespmem:$0x1E400] =	vst v63  }
0x41: {  	_ =	swait.ge [sflag:s14], $0x4000  }
0x42: {  	[sflag:s14] =	ssyncset.done $0x0  }
0x43: {  	s25 =	sadd.s32 $0x180, s25;
	[sflag:s14] =	ssyncadd.s32 $0xFFFFC000  }
0x44: {  	[tilespmem:s18], [sflag:$0x2] =	stream.indirect.gather [hbm4b:s2+s16], $0x80, s25, s16, $0xb8;
	[tilespmem:$0x1E400] =	vst v63  }
0x45: {  	_ =	swait.ge [sflag:s19], $0x4000  }
0x46: {  	[sflag:s19] =	ssyncset.done $0x0  }
0x47: {  	[sflag:s19] =	ssyncadd.s32 $0xFFFFC000  }
0x48: {  	[spmem:s3] =	stream.indirect.scatter.add.f32 [tilespmem:s17], [sflag:$0x3], $0x80, s21, s16, $0xb8;
	[tilespmem:$0x1E400] =	vst v63  }
0x49: {  	_ =	swait.ge [sflag:s14], $0x4000  }
0x4a: {  	[sflag:s14] =	ssyncset.done $0x0  }
0x4b: {  	[sflag:s14] =	ssyncadd.s32 $0xFFFFC000  }
0x4c: {  	_ =	swait.ge [sflag:s20], $0x4000  }
0x4d: {  	[sflag:s20] =	ssyncset.done $0x0  }
0x4e: {  	[sflag:s20] =	ssyncadd.s32 $0xFFFFC000  }
0x4f: {  	[spmem:s3] =	stream.indirect.scatter.add.f32 [tilespmem:s18], [sflag:$0x3], $0x80, s22, s16, $0xb8;
	[tilespmem:$0x1E400] =	vst v63  }
0x50: {  	_ =	swait.ge [sflag:s14], $0x4000  }
0x51: {  	[sflag:s14] =	ssyncset.done $0x0  }
0x52: {  	s24 =	simm.s32 $0x0;
	[sflag:s14] =	ssyncadd.s32 $0xFFFFC000  }
0x53: {  	[tilespmem:s24], [sflag:$0x3] =	stream.linear.gather [hbm4b:s9+s24], $0x1400, $0x38;
	[tilespmem:$0x1E400] =	vst v63  }
0x54: {  	_ =	swait.ge [sflag:s14], $0x1400  }
0x55: {  	[sflag:s14] =	ssyncset.done $0x0  }
0x56: {  	[sflag:s14] =	ssyncadd.s32 $0xFFFFEC00  }
0x57: {  	[tilespmem:s15], [sflag:$0x3] =	stream.linear.gather [hbm4b:s10+s24], $0x1400, $0x38;
	[tilespmem:$0x1E400] =	vst v63  }
0x58: {  	_ =	swait.ge [sflag:s14], $0x1400  }
0x59: {  	[sflag:s14] =	ssyncset.done $0x0  }
0x5a: {  	[sflag:s14] =	ssyncadd.s32 $0xFFFFEC00  }
0x5b: {  	[tilespmem:s17], [sflag:$0x1] =	stream.indirect.gather [hbm4b:s2+s16], $0x80, s24, s16, $0xb8;
	[tilespmem:$0x1E400] =	vst v63  }
0x5c: {  	_ = 	snop  }
0x5d: {  	[tilespmem:s18], [sflag:$0x2] =	stream.indirect.gather [hbm4b:s2+s16], $0x80, s16, s16, $0xb8;
	[tilespmem:$0x1E400] =	vst v63  }
0x5e: {  	_ =	swait.ge [sflag:s19], $0x4000  }
0x5f: {  	[sflag:s19] =	ssyncset.done $0x0  }
0x60: {  	s29 =	simm.s32 $0x1400;
	[sflag:s19] =	ssyncadd.s32 $0xFFFFC000  }
0x61: {  	[spmem:s3] =	stream.indirect.scatter.add.f32 [tilespmem:s17], [sflag:$0x3], $0x80, s29, s16, $0xb8;
	[tilespmem:$0x1E400] =	vst v63  }
0x62: {  	_ =	swait.ge [sflag:s14], $0x4000  }
0x63: {  	[sflag:s14] =	ssyncset.done $0x0  }
0x64: {  	s30 =	simm.s32 $0x100;
	[sflag:s14] =	ssyncadd.s32 $0xFFFFC000  }
0x65: {  	[tilespmem:s17], [sflag:$0x1] =	stream.indirect.gather [hbm4b:s2+s16], $0x80, s30, s16, $0xb8;
	[tilespmem:$0x1E400] =	vst v63  }
0x66: {  	_ =	swait.ge [sflag:s20], $0x4000  }
0x67: {  	[sflag:s20] =	ssyncset.done $0x0  }
0x68: {  	s31 =	simm.s32 $0x1480;
	[sflag:s20] =	ssyncadd.s32 $0xFFFFC000  }
0x69: {  	[spmem:s3] =	stream.indirect.scatter.add.f32 [tilespmem:s18], [sflag:$0x3], $0x80, s31, s16, $0xb8;
	[tilespmem:$0x1E400] =	vst v63  }
0x6a: {  	_ =	swait.ge [sflag:s14], $0x4000  }
0x6b: {  	[sflag:s14] =	ssyncset.done $0x0  }
0x6c: {  	s25 =	simm.s32 $0x180;
	s24 =	simm.s32 $0x400;
	[sflag:s14] =	ssyncadd.s32 $0xFFFFC000  }
.LBB2_4:
0x6d: {  	[tilespmem:s18], [sflag:$0x2] =	stream.indirect.gather [hbm4b:s2+s16], $0x80, s25, s16, $0xb8;
	[tilespmem:$0x1E400] =	vst v63  }
0x6e: {  	s25 =	smov.u32 s24  }
0x6f: {  	p0 =	sne.s32 s24, $0x4800;
	s24 =	sadd.s32 $0x400, s24;
	_ =	swait.ge [sflag:s19], $0x4000  }
0x70: {  	s25 =	sshra.s32 s25, $0x2;
	[sflag:s19] =	ssyncset.done $0x0  }
0x71: {  	s26 =	sadd.s32 $0x1400, s25;
	[sflag:s19] =	ssyncadd.s32 $0xFFFFC000  }
0x72: {  	[spmem:s3] =	stream.indirect.scatter.add.f32 [tilespmem:s17], [sflag:$0x3], $0x80, s26, s16, $0xb8;
	[tilespmem:$0x1E400] =	vst v63  }
0x73: {  	_ =	swait.ge [sflag:s14], $0x4000  }
0x74: {  	[sflag:s14] =	ssyncset.done $0x0  }
0x75: {  	s26 =	sadd.s32 $0x100, s25;
	[sflag:s14] =	ssyncadd.s32 $0xFFFFC000  }
0x76: {  	[tilespmem:s17], [sflag:$0x1] =	stream.indirect.gather [hbm4b:s2+s16], $0x80, s26, s16, $0xb8;
	[tilespmem:$0x1E400] =	vst v63  }
0x77: {  	_ =	swait.ge [sflag:s20], $0x4000  }
0x78: {  	[sflag:s20] =	ssyncset.done $0x0  }
.Ltmp1:
0x79: {  	s26 =	sadd.s32 $0x1480, s25;
	[sflag:s20] =	ssyncadd.s32 $0xFFFFC000;
	(pc) =	sbr.rel @p0 .LBB2_4-.Ltmp1, $4  }
0x7a: {  	[spmem:s3] =	stream.indirect.scatter.add.f32 [tilespmem:s18], [sflag:$0x3], $0x80, s26, s16, $0xb8;
	[tilespmem:$0x1E400] =	vst v63  }
0x7b: {  	_ =	swait.ge [sflag:s14], $0x4000  }
0x7c: {  	[sflag:s14] =	ssyncset.done $0x0  }
0x7d: {  	s25 =	sadd.s32 $0x180, s25;
	[sflag:s14] =	ssyncadd.s32 $0xFFFFC000  }
0x7e: {  	[tilespmem:s18], [sflag:$0x2] =	stream.indirect.gather [hbm4b:s2+s16], $0x80, s25, s16, $0xb8;
	[tilespmem:$0x1E400] =	vst v63  }
0x7f: {  	_ =	swait.ge [sflag:s19], $0x4000  }
0x80: {  	[sflag:s19] =	ssyncset.done $0x0  }
0x81: {  	[sflag:s19] =	ssyncadd.s32 $0xFFFFC000  }
0x82: {  	[spmem:s3] =	stream.indirect.scatter.add.f32 [tilespmem:s17], [sflag:$0x3], $0x80, s21, s16, $0xb8;
	[tilespmem:$0x1E400] =	vst v63  }
0x83: {  	_ =	swait.ge [sflag:s14], $0x4000  }
0x84: {  	[sflag:s14] =	ssyncset.done $0x0  }
0x85: {  	[sflag:s14] =	ssyncadd.s32 $0xFFFFC000  }
0x86: {  	_ =	swait.ge [sflag:s20], $0x4000  }
0x87: {  	[sflag:s20] =	ssyncset.done $0x0  }
0x88: {  	[sflag:s20] =	ssyncadd.s32 $0xFFFFC000  }
0x89: {  	[spmem:s3] =	stream.indirect.scatter.add.f32 [tilespmem:s18], [sflag:$0x3], $0x80, s22, s16, $0xb8;
	[tilespmem:$0x1E400] =	vst v63  }
0x8a: {  	_ =	swait.ge [sflag:s14], $0x4000  }
0x8b: {  	s23 =	sadd.s32 $0x1, s23;
	[sflag:s14] =	ssyncset.done $0x0  }
0x8c: {  	p0 =	sne.s32 s23, s12;
	[sflag:s14] =	ssyncadd.s32 $0xFFFFC000  }
.Ltmp2:
0x8d: {  	[bflag:$0x0] =	sbarrier.arrive $0xFFFF;
	(pc) =	sbr.rel @p0 .LBB2_1-.Ltmp2, $4  }
0x8e: {  	[hbm:s11], [sflag:s6] =	dma.local [spmem:s13], $0x2780  }
0x8f: {  	_ =	swait.ge [sflag:s14], $0x2780  }
0x90: {  	[sflag:s14] =	ssyncset.done $0x0  }
0x91: {  	[sflag:s14] =	ssyncadd.s32 $0xFFFFD880  }
0x92: {  	_ =	sfence.sel $0x180000  }
0x93: {  	[bflag:$0x0] =	sbarrier.arrive $0xFFFF  }
0x94: {  	p0 =	sne.s32 s1, $0x0;
	_ =	strace $0x9000004D  }
0x95: {  	s0 =	sadd.s32 @!p0 $0x100000, s0;
	[bflag:$0x2] =	sbarrier.arrive $0xFFFF  }
0x96: {  	[sflag:s0] =	ssyncadd.tile.s32 @!p0 $0x1;
	_ =	shalt  }
.Lfunc_end2:
_tile_overlayer_lowered:
.L_overlay_start_2:
0x97: {  	(tag) =	ssettag $0x2  }
0x98: {  	s0 =	rddreg [dreg:$0x0];
	s2 =	stileid.u32  }
0x99: {  	s1 =	rddreg [dreg:$0x1];
	p0 =	sne.s32 s2, $0x0  }
0x9a: {  	s3 =	rddreg [dreg:$0x2];
	[bflag:$0x3] =	sbarrier.arrive $0xFFFF;
	s2 =	simm.s32 @!p0 $0x1C03  }
0x9b: {  	[timem:s3], [sflag:s2] =	dma.local @!p0 [hbm:s0], s1  }
0x9c: {  	s0 =	simm.s32 @!p0 $0x3  }
0x9d: {  	_ =	swait.ge @!p0 [sflag:s0], s1  }
0x9e: {  	s1 =	ssub.s32 @!p0 $0x0, s1;
	[sflag:s0] =	ssyncset.done @!p0 $0x0  }
0x9f: {  	[sflag:s0] =	ssyncadd.s32 @!p0 s1  }
0xa0: {  	[bflag:$0x3] =	sbarrier.arrive $0xFFFF  }
0xa1: {  	_ =	shalt  }

// kernel: kernel.9.cloned.1.call-start
scs
__scs_entry_jumppad:
0x0: {  	(pc) =	sbr.rel $0x88, $3  }
0x1: {  	(tag) =	ssettag $0x0;
	lr =	simm.s32 $0x1  }
0x2: {  	[smem:$0x3F9B] =	sst lr;
	_ =	strace $0xD0000000  }
0x3: {  	_ = 	snop  }
0x4: {  	_ = 	snop  }
0x5: {  	_ = 	snop  }
0x6: {  	_ = 	snop  }
0x7: {  	_ = 	snop  }
__scs_overlays_trampoline_lowered:
0x8: {  	[smem:$0x3FAA] =	sst s0  }
0x9: {  	[smem:$0x3FAB] =	sst s1  }
0xa: {  	[smem:$0x3FAC] =	sst s2  }
0xb: {  	[smem:$0x3FAD] =	sst s3  }
0xc: {  	[smem:$0x3FAE] =	sst s4  }
0xd: {  	[smem:$0x3FAF] =	sst s5  }
0xe: {  	[smem:$0x3FB0] =	sst s6  }
0xf: {  	[smem:$0x3FB1] =	sst s7  }
0x10: {  	[smem:$0x3FB2] =	sst s8  }
0x11: {  	[smem:$0x3FB3] =	sst s9;
	s0 =	simm.s32 @!p0 $0x0  }
0x12: {  	s1 =	sld [smem:$0x3F99];
	s0 =	simm.s32 @p0 $0x1  }
0x13: {  	[smem:$0x3FB4] =	sst s0;
	s0 =	simm.s32 @!p1 $0x0  }
0x14: {  	s2 =	sld [smem:$0x3F98];
	s0 =	simm.s32 @p1 $0x1  }
0x15: {  	[smem:$0x3FB5] =	sst s0;
	s0 =	simm.s32 @!p2 $0x0  }
0x16: {  	s3 =	sld [smem:$0x3FDB];
	s0 =	simm.s32 @p2 $0x1  }
0x17: {  	s4 =	simm.s32 $0x1BF5;
	[smem:$0x3FB7] =	sst s0  }
0x18: {  	s0 =	sld [smem:$0x3F9A];
	_ =	swait.ge [sflag:s4], $0x0  }
0x19: {  	s7 =	sld [smem:$0x3F9B]  }
0x1a: {  	s8 =	sadd.s32 $0xFFFFE003, lr  }
0x1b: {  	s9 =	sadd.s32 $0xFFFFFEF7, lr;
	s5 =	simm.s32 $0xFFFFFFFF;
	p2 =	slt.u32 s8, $0xFFFFF086  }
0x1c: {  	p1 =	slt.u32 s9, $0xF7A;
	s5 =	simm.s32 @!p2 $0x0  }
0x1d: {  	s5 =	simm.s32 @p1 $0x1;
	p0 =	seq.s32 s7, s2  }
0x1e: {  	s7 =	smul.u32 @!p0 $0xF7A, s2;
	p2 =	seq.s32 @!p0 s5, $0x0  }
0x1f: {  	s9 =	smul.u32 $0xF7A, s1;
	s8 =	simm.s32 @!p0 $0x1BF5;
	p2 =	por !p2, p0  }
0x20: {  	[sflag:s8] =	ssyncset.s32 @!p0 $0xFFFFF086;
	s6 =	sadd.s32 @!p0 s3, s7;
	s7 =	simm.s32 @!p0 $0x108  }
0x21: {  	s3 =	sadd.s32 s3, s9;
	s6 =	sadd.s32 @!p0 $0x88, s6;
	s7 =	simm.s32 @p2 $0x1082  }
0x22: {  	[simem:s7], [sflag:s8] =	dma.local @!p0 [hbm:s6], $0xF7A  }
0x23: {  	s9 =	sor.u32 $0xD0000000, s2;
	s6 =	simm.s32 $0x108;
	_ =	swait.ge @!p0 [sflag:s8], $0x0  }
0x24: {  	s3 =	sadd.s32 $0x88, s3;
	s6 =	simm.s32 @!p1 $0x1082;
	[sflag:s4] =	ssyncset.s32 $0xFFFFF086  }
0x25: {  	[simem:s6], [sflag:s4] =	dma.local [hbm:s3], $0xF7A  }
0x26: {  	[smem:$0x3F9B] =	sst s1;
	(tag) =	ssettag s2;
	_ =	strace s9  }
0x27: {  	s1 =	sld [smem:$0x3FAB]  }
0x28: {  	s2 =	sld [smem:$0x3FAC]  }
0x29: {  	s4 =	sld [smem:$0x3FAE]  }
0x2a: {  	p0 =	seq.s32 s5, $0x0;
	s5 =	sld [smem:$0x3FAF]  }
0x2b: {  	s6 =	sld [smem:$0x3FB0]  }
0x2c: {  	s7 =	sld [smem:$0x3FB1]  }
0x2d: {  	s3 =	simm.s32 $0x108;
	s8 =	sld [smem:$0x3FB2]  }
0x2e: {  	s3 =	simm.s32 @!p0 $0x1082;
	s9 =	sld [smem:$0x3FB3]  }
0x2f: {  	lr =	sadd.s32 s0, s3;
	s0 =	sld [smem:$0x3FAA]  }
0x30: {  	s3 =	sld [smem:$0x3FAD]  }
0x31: {  	[smem:$0x3FB6] =	sst s10  }
0x32: {  	s10 =	sld [smem:$0x3FB4];
	_ =	sdelay $0x3  }
0x33: {  	p0 =	seq.s32 s10, $0x1;
	s10 =	sld [smem:$0x3FB6];
	_ =	sdelay $0x3  }
0x34: {  	[smem:$0x3FB6] =	sst s10  }
0x35: {  	s10 =	sld [smem:$0x3FB5];
	_ =	sdelay $0x3  }
0x36: {  	p1 =	seq.s32 s10, $0x1;
	s10 =	sld [smem:$0x3FB6];
	_ =	sdelay $0x3  }
0x37: {  	[smem:$0x3FB6] =	sst s10  }
0x38: {  	s10 =	sld [smem:$0x3FB7]  }
0x39: {  	_ = 	snop;
	(pc) =	sbr.ind lr, $3  }
0x3a: {  	_ = 	snop  }
0x3b: {  	_ = 	snop  }
0x3c: {  	p2 =	seq.s32 s10, $0x1;
	s10 =	sld [smem:$0x3FB6]  }
0x3d: {  	_ =	shalt  }
0x3e: {  	_ =	shalt  }
0x3f: {  	_ =	shalt  }
0x40: {  	_ =	shalt  }
0x41: {  	_ =	shalt  }
0x42: {  	_ =	shalt  }
0x43: {  	_ =	shalt  }
0x44: {  	_ =	shalt  }
0x45: {  	_ =	shalt  }
0x46: {  	_ =	shalt  }
0x47: {  	_ =	shalt  }
0x48: {  	_ =	shalt  }
0x49: {  	_ =	shalt  }
0x4a: {  	_ =	shalt  }
0x4b: {  	_ =	shalt  }
0x4c: {  	_ =	shalt  }
0x4d: {  	_ =	shalt  }
0x4e: {  	_ =	shalt  }
0x4f: {  	_ =	shalt  }
0x50: {  	_ =	shalt  }
0x51: {  	_ =	shalt  }
0x52: {  	_ =	shalt  }
0x53: {  	_ =	shalt  }
0x54: {  	_ =	shalt  }
0x55: {  	_ =	shalt  }
0x56: {  	_ =	shalt  }
0x57: {  	_ =	shalt  }
0x58: {  	_ =	shalt  }
0x59: {  	_ =	shalt  }
0x5a: {  	_ =	shalt  }
0x5b: {  	_ =	shalt  }
0x5c: {  	_ =	shalt  }
0x5d: {  	_ =	shalt  }
0x5e: {  	_ =	shalt  }
0x5f: {  	_ =	shalt  }
0x60: {  	_ =	shalt  }
0x61: {  	_ =	shalt  }
0x62: {  	_ =	shalt  }
0x63: {  	_ =	shalt  }
0x64: {  	_ =	shalt  }
0x65: {  	_ =	shalt  }
0x66: {  	_ =	shalt  }
0x67: {  	_ =	shalt  }
0x68: {  	_ =	shalt  }
0x69: {  	_ =	shalt  }
0x6a: {  	_ =	shalt  }
0x6b: {  	_ =	shalt  }
0x6c: {  	_ =	shalt  }
0x6d: {  	_ =	shalt  }
0x6e: {  	_ =	shalt  }
0x6f: {  	_ =	shalt  }
0x70: {  	_ =	shalt  }
0x71: {  	_ =	shalt  }
0x72: {  	_ =	shalt  }
0x73: {  	_ =	shalt  }
0x74: {  	_ =	shalt  }
0x75: {  	_ =	shalt  }
0x76: {  	_ =	shalt  }
0x77: {  	_ =	shalt  }
0x78: {  	_ =	shalt  }
0x79: {  	_ =	shalt  }
0x7a: {  	_ =	shalt  }
0x7b: {  	_ =	shalt  }
0x7c: {  	_ =	shalt  }
0x7d: {  	_ =	shalt  }
0x7e: {  	_ =	shalt  }
0x7f: {  	_ =	shalt  }
0x80: {  	_ =	shalt  }
0x81: {  	_ =	shalt  }
0x82: {  	_ =	shalt  }
0x83: {  	_ =	shalt  }
0x84: {  	_ =	shalt  }
0x85: {  	_ =	shalt  }
0x86: {  	_ =	shalt  }
0x87: {  	_ =	shalt  }
.Lfunc_end0:
.L_simem_size_0:
called_computation_lowered:
.L_overlay_start_0:
0x88: {  	s2 =	sld [smem:$0x3FD9]  }
0x89: {  	s3 =	sld [smem:$0x3FFE];
	_ =	sdelay $0x1  }
0x8a: {  	s1 =	srdreg.scid  }
0x8b: {  	s0 =	sand.u32 $0x1, s1  }
0x8c: {  	s17 =	sshll.u32 s0, $0xA;
	s2 =	sadd.s32 s3, s2  }
0x8d: {  	s2 =	sadd.s32 s2, s17  }
0x8e: {  	[smem:$0x3FC2] =	sst s2  }
0x8f: {  	_ = 	snop  }
0x90: {  	s2 =	sld [smem:$0x3FD0];
	(tm) =	ssettm $0x1  }
0x91: {  	s18 =	sld [smem:$0x3FFB];
	_ =	sdelay $0x3  }
0x92: {  	_ =	strace s18  }
0x93: {  	s3 =	sld [smem:$0x3FFC];
	_ =	sdelay $0x3  }
0x94: {  	_ =	strace s3  }
0x95: {  	s3 =	sld [smem:$0x3FFD];
	_ =	sdelay $0x3  }
0x96: {  	_ =	strace s3  }
0x97: {  	_ =	strace $0x8FFFFFFF  }
0x98: {  	s19 =	sld [smem:$0x3FDB];
	_ =	sdelay $0x1  }
0x99: {  	s4 =	simm.s32 $_scs_section_size  }
0x9a: {  	s5 =	simm.s32 $_size__tile_overlayer_lowered;
	s6 =	simm.s32 $_tile_overlayer_lowered  }
0x9b: {  	s22 =	simm.s32 $0x1BFF;
	s21 =	sshll.u32 s6, $0x1;
	s3 =	sadd.s32 s4, s19  }
0x9c: {  	s7 =	simm.s32 $0x0;
	s20 =	sshll.u32 s5, $0x1;
	s5 =	sadd.s32 s21, s3  }
0x9d: {  	[timem:s7], [sflag:s22] =	dma.local [hbm:s5], s20  }
0x9e: {  	_ =	swait.ge [sflag:s22], s20  }
0x9f: {  	s4 =	ssub.s32 $0x0, s20;
	[sflag:s22] =	ssyncset.done $0x0  }
0xa0: {  	[sflag:s22] =	ssyncadd.s32 s4;
	_ =	sdelay $0x1  }
0xa1: {  	s23 =	simm.s32 $0x1B8B  }
0xa2: {  	_ =	swait.ge [sflag:s23], $0x1  }
0xa3: {  	[sflag:s23] =	ssyncset.done $0x0  }
0xa4: {  	s25 =	simm.s32 $0x1B8E;
	s24 =	sld [smem:$0x3FFE];
	[sflag:s23] =	ssyncadd.s32 $0xFFFFFFFF  }
0xa5: {  	s26 =	simm.s32 $execute0_lowered;
	[smem:$0x3FD2] =	sst s25  }
0xa6: {  	s5 =	sshll.u32 s26, $0x1;
	_ =	strace $0x80000046;
	[dreg:$0x1] =	wrdreg $0xFFFFFFFF  }
0xa7: {  	s28 =	simm.s32 $_size_execute0_lowered;
	s3 =	sadd.s32 s3, s5;
	[dreg:$0x0] =	wrdreg $0x0  }
0xa8: {  	s5 =	sshll.u32 s28, $0x1;
	[dreg:$0x2] =	wrdreg s3  }
0xa9: {  	[dreg:$0x3] =	wrdreg s5  }
0xaa: {  	[dreg:$0x4] =	wrdreg $0xC0  }
0xab: {  	_ =	task [dreg:s7], $0x5FFFF  }
0xac: {  	[dreg:$0x1] =	wrdreg $0xFFFFFFFF  }
0xad: {  	[dreg:$0x0] =	wrdreg $0x60  }
0xae: {  	[dreg:$0x2] =	wrdreg s24  }
0xaf: {  	[dreg:$0x3] =	wrdreg s2  }
0xb0: {  	[dreg:$0x4] =	wrdreg $0x94000  }
0xb1: {  	[dreg:$0x5] =	wrdreg $0x9  }
0xb2: {  	_ =	task.clear_ibuf [dreg:s7], $0x6FFFF;
	_ =	strace $0x90000046  }
0xb3: {  	s29 =	simm.s32 $0x9;
	_ =	strace $0x80000048  }
0xb4: {  	_ =	swait.ge [sflag:s29], $0x1  }
0xb5: {  	[sflag:s29] =	ssyncadd.s32 $0xFFFFFFFF  }
0xb6: {  	_ =	strace $0x90000048  }
0xb7: {  	_ =	sfence  }
0xb8: {  	s30 =	sld [smem:$0x0];
	_ =	sdelay $0x2  }
0xb9: {  	s31 =	sshll.u32 s1, $0xD;
	s1 =	sshrl.u32 s1, $0x2  }
0xba: {  	s3 =	sand.u32 $0x4000, s31;
	s1 =	sadd.s32 s1, s30  }
0xbb: {  	s0 =	sor.u32 s3, s0;
	s1 =	sshll.u32 s1, $0x11  }
0xbc: {  	s0 =	sor.u32 s1, s0  }
0xbd: {  	s0 =	sadd.s32 $0x8F2B, s0  }
0xbe: {  	[sflag:s0] =	ssyncadd.remote.s32 $0x1  }
0xbf: {  	_ =	sfence.sel $0xFFFF  }
0xc0: {  	[dreg:$0x0] =	wrdreg $0xFFFFFFFF;
	(pc) =	sbr.abs _section_cstart, $3  }
0xc1: {  	[dreg:$0x1] =	wrdreg $0xFFFFFFFF  }
0xc2: {  	_ =	task.clear_ibuf [dreg:s7], $0x2FFFF;
	_ =	strace $0x9FFFFFFF  }
0xc3: {  	(tm) =	ssettm $0x7FFFFFFF  }
tec
execute0_lowered:
.L_overlay_start_1:
0x0: {  	(tag) =	ssettag $0x1  }
0x1: {  	s1 =	srdreg.scid;
	s5 =	rddreg [dreg:$0x0]  }
0x2: {  	s0 =	stileid.u32;
	s2 =	rddreg [dreg:$0x1]  }
0x3: {  	s3 =	rddreg [dreg:$0x2];
	s4 =	simm.s32 $0x0;
	s14 =	simm.s32 $0x5400  }
0x4: {  	s15 =	simm.s32 $0x80;
	s16 =	simm.s32 $0x1;
	s17 =	simm.s32 $0x2  }
0x5: {  	s18 =	simm.s32 $0x0;
	s6 =	sand.u32 $0x1, s1;
	s8 =	smul.u32 $0x13C00, s0  }
0x6: {  	s25 =	sshll.u32 s0, $0x1;
	[smem:$0x7FF] =	sst s4;
	s28 =	smul.u32 $0x4F000, s0  }
0x7: {  	s31 =	sshll.u32 s0, $0x6;
	s1 =	sor.u32 s6, s25;
	s9 =	smul.u32 $0x13C000, s6  }
0x8: {  	s6 =	ssub.s32 $0x2, s6;
	s7 =	smul.u32 $0x2800, s1;
	s1 =	rddreg [dreg:$0x3]  }
0x9: {  	_ =	strace $0x80000047;
	s26 =	sshrl.u32 s8, $0x3;
	s29 =	sshrl.u32 s6, $0x1  }
0xa: {  	s30 =	sshrl.u32 s28, $0x2;
	s8 =	sadd.s32 s8, s9;
	s12 =	ssub.s32 s6, s29  }
0xb: {  	s13 =	sadd.s32 s30, s3;
	s6 =	sor.u32 $0x1C03, s31;
	s7 =	sshrl.u32 s7, $0x3  }
0xc: {  	s8 =	sshrl.u32 s8, $0x3;
	s10 =	sadd.s32 s7, s5;
	s7 =	sadd.s32 s26, s5  }
0xd: {  	s11 =	sadd.s32 s8, s5;
	s5 =	sadd.s32 $0xC600, s7;
	s7 =	sadd.s32 $0x2600, s10  }
0xe: {  	s8 =	sadd.s32 $0x2880, s10;
	s9 =	sadd.s32 $0x33E00, s11;
	s10 =	smax.u32 s12, $0x1  }
0xf: {  	s11 =	sshrl.u32 s13, $0x3;
	s12 =	simm.s32 $0x3;
	s13 =	simm.s32 $0x1400  }
.LBB2_1:
0x10: {  	[spmem:s11], [sflag:s6] =	dma.local [hbm:s5], $0x2780  }
0x11: {  	_ =	swait.ge [sflag:s12], $0x2780  }
0x12: {  	[sflag:s12] =	ssyncset.done $0x0  }
0x13: {  	[sflag:s12] =	ssyncadd.s32 $0xFFFFD880  }
0x14: {  	[tilespmem:s13], [sflag:$0x3] =	stream.linear.gather [hbm4b:s2+s4], $0x4000, $0x38;
	[tilespmem:$0x1D000] =	vst v63  }
0x15: {  	_ =	swait.ge [sflag:s12], $0x4000  }
0x16: {  	[sflag:s12] =	ssyncset.done $0x0  }
0x17: {  	[sflag:s12] =	ssyncadd.s32 $0xFFFFC000  }
0x18: {  	[tilespmem:s14], [sflag:$0x3] =	stream.linear.gather [hbm4b:s2+s4], $0x4000, $0x38;
	[tilespmem:$0x1D000] =	vst v63  }
0x19: {  	_ =	swait.ge [sflag:s12], $0x4000  }
0x1a: {  	[sflag:s12] =	ssyncset.done $0x0  }
0x1b: {  	[sflag:s12] =	ssyncadd.s32 $0xFFFFC000  }
0x1c: {  	[bflag:$0x0] =	sbarrier.arrive $0xFFFF  }
0x1d: {  	[tilespmem:s4], [sflag:$0x3] =	stream.linear.gather [hbm4b:s7+s4], $0x1400, $0x38;
	[tilespmem:$0x1D000] =	vst v63  }
0x1e: {  	_ =	swait.ge [sflag:s12], $0x1400  }
0x1f: {  	[sflag:s12] =	ssyncset.done $0x0  }
0x20: {  	s19 =	simm.s32 $0x0;
	[sflag:s12] =	ssyncadd.s32 $0xFFFFEC00  }
0x21: {  	[spmem:s3] =	stream.indirect.scatter.add.f32 [tilespmem:s13], [sflag:$0x1], $0x80, s19, s15, $0xb8;
	[tilespmem:$0x1D000] =	vst v63  }
0x22: {  	s31 =	simm.s32 $0x80  }
0x23: {  	[spmem:s3] =	stream.indirect.scatter.add.f32 [tilespmem:s14], [sflag:$0x2], $0x80, s31, s15, $0xb8;
	[tilespmem:$0x1D000] =	vst v63  }
0x24: {  	_ =	swait.ge [sflag:s16], $0x4000  }
0x25: {  	[sflag:s16] =	ssyncset.done $0x0  }
0x26: {  	[sflag:s16] =	ssyncadd.s32 $0xFFFFC000  }
0x27: {  	_ =	swait.ge [sflag:s17], $0x4000  }
0x28: {  	s20 =	simm.s32 $0x800;
	s19 =	simm.s32 $0x400;
	[sflag:s17] =	ssyncset.done $0x0  }
.LBB2_2:
0x29: {  	s21 =	sshra.s32 s19, $0x2  }
0x2a: {  	[sflag:s17] =	ssyncadd.s32 $0xFFFFC000;
	s19 =	smov.u32 s20;
	s22 =	sadd.s32 $0x400, s20  }
0x2b: {  	[spmem:s3] =	stream.indirect.scatter.add.f32 [tilespmem:s13], [sflag:$0x1], $0x80, s21, s15, $0xb8;
	[tilespmem:$0x1D000] =	vst v63  }
0x2c: {  	p0 =	sne.s32 s20, $0x4C00;
	s20 =	sadd.s32 $0x80, s21  }
0x2d: {  	[spmem:s3] =	stream.indirect.scatter.add.f32 [tilespmem:s14], [sflag:$0x2], $0x80, s20, s15, $0xb8;
	[tilespmem:$0x1D000] =	vst v63  }
.Ltmp0:
0x2e: {  	_ =	swait.ge [sflag:s16], $0x4000;
	(pc) =	sbr.rel @p0 .LBB2_2-.Ltmp0, $4  }
0x2f: {  	[sflag:s16] =	ssyncset.done $0x0  }
0x30: {  	[sflag:s16] =	ssyncadd.s32 $0xFFFFC000  }
0x31: {  	_ =	swait.ge [sflag:s17], $0x4000  }
0x32: {  	s20 =	smov.u32 s22;
	[sflag:s17] =	ssyncset.done $0x0  }
0x33: {  	s19 =	sshra.s32 s19, $0x2;
	[sflag:s17] =	ssyncadd.s32 $0xFFFFC000  }
0x34: {  	[spmem:s3] =	stream.indirect.scatter.add.f32 [tilespmem:s13], [sflag:$0x1], $0x80, s19, s15, $0xb8;
	[tilespmem:$0x1D000] =	vst v63  }
0x35: {  	s19 =	sadd.s32 $0x80, s19  }
0x36: {  	[spmem:s3] =	stream.indirect.scatter.add.f32 [tilespmem:s14], [sflag:$0x2], $0x80, s19, s15, $0xb8;
	[tilespmem:$0x1D000] =	vst v63  }
0x37: {  	_ =	swait.ge [sflag:s16], $0x4000  }
0x38: {  	[sflag:s16] =	ssyncset.done $0x0  }
0x39: {  	[sflag:s16] =	ssyncadd.s32 $0xFFFFC000  }
0x3a: {  	_ =	swait.ge [sflag:s17], $0x4000  }
0x3b: {  	[sflag:s17] =	ssyncset.done $0x0  }
0x3c: {  	s29 =	simm.s32 $0x0;
	[sflag:s17] =	ssyncadd.s32 $0xFFFFC000  }
0x3d: {  	[tilespmem:s29], [sflag:$0x3] =	stream.linear.gather [hbm4b:s8+s29], $0x1400, $0x38;
	[tilespmem:$0x1D000] =	vst v63  }
0x3e: {  	_ =	swait.ge [sflag:s12], $0x1400  }
0x3f: {  	[sflag:s12] =	ssyncset.done $0x0  }
0x40: {  	s30 =	simm.s32 $0x0;
	[sflag:s12] =	ssyncadd.s32 $0xFFFFEC00  }
0x41: {  	[spmem:s3] =	stream.indirect.scatter.add.f32 [tilespmem:s13], [sflag:$0x1], $0x80, s30, s15, $0xb8;
	[tilespmem:$0x1D000] =	vst v63  }
0x42: {  	s31 =	simm.s32 $0x80  }
0x43: {  	[spmem:s3] =	stream.indirect.scatter.add.f32 [tilespmem:s14], [sflag:$0x2], $0x80, s31, s15, $0xb8;
	[tilespmem:$0x1D000] =	vst v63  }
0x44: {  	_ =	swait.ge [sflag:s16], $0x4000  }
0x45: {  	[sflag:s16] =	ssyncset.done $0x0  }
0x46: {  	[sflag:s16] =	ssyncadd.s32 $0xFFFFC000  }
0x47: {  	_ =	swait.ge [sflag:s17], $0x4000  }
0x48: {  	s20 =	simm.s32 $0x800;
	s19 =	simm.s32 $0x400;
	[sflag:s17] =	ssyncset.done $0x0  }
.LBB2_4:
0x49: {  	s21 =	sshra.s32 s19, $0x2  }
0x4a: {  	[sflag:s17] =	ssyncadd.s32 $0xFFFFC000;
	s19 =	smov.u32 s20;
	s22 =	sadd.s32 $0x400, s20  }
0x4b: {  	[spmem:s3] =	stream.indirect.scatter.add.f32 [tilespmem:s13], [sflag:$0x1], $0x80, s21, s15, $0xb8;
	[tilespmem:$0x1D000] =	vst v63  }
0x4c: {  	p0 =	sne.s32 s20, $0x4C00;
	s20 =	sadd.s32 $0x80, s21  }
0x4d: {  	[spmem:s3] =	stream.indirect.scatter.add.f32 [tilespmem:s14], [sflag:$0x2], $0x80, s20, s15, $0xb8;
	[tilespmem:$0x1D000] =	vst v63  }
.Ltmp1:
0x4e: {  	_ =	swait.ge [sflag:s16], $0x4000;
	(pc) =	sbr.rel @p0 .LBB2_4-.Ltmp1, $4  }
0x4f: {  	[sflag:s16] =	ssyncset.done $0x0  }
0x50: {  	[sflag:s16] =	ssyncadd.s32 $0xFFFFC000  }
0x51: {  	_ =	swait.ge [sflag:s17], $0x4000  }
0x52: {  	s20 =	smov.u32 s22;
	[sflag:s17] =	ssyncset.done $0x0  }
0x53: {  	s19 =	sshra.s32 s19, $0x2;
	[sflag:s17] =	ssyncadd.s32 $0xFFFFC000  }
0x54: {  	[spmem:s3] =	stream.indirect.scatter.add.f32 [tilespmem:s13], [sflag:$0x1], $0x80, s19, s15, $0xb8;
	[tilespmem:$0x1D000] =	vst v63  }
0x55: {  	s19 =	sadd.s32 $0x80, s19  }
0x56: {  	[spmem:s3] =	stream.indirect.scatter.add.f32 [tilespmem:s14], [sflag:$0x2], $0x80, s19, s15, $0xb8;
	[tilespmem:$0x1D000] =	vst v63  }
0x57: {  	_ =	swait.ge [sflag:s16], $0x4000  }
0x58: {  	[sflag:s16] =	ssyncset.done $0x0  }
0x59: {  	[sflag:s16] =	ssyncadd.s32 $0xFFFFC000  }
0x5a: {  	_ =	swait.ge [sflag:s17], $0x4000  }
0x5b: {  	s18 =	sadd.s32 $0x1, s18;
	[sflag:s17] =	ssyncset.done $0x0  }
0x5c: {  	p0 =	sne.s32 s18, s10;
	[sflag:s17] =	ssyncadd.s32 $0xFFFFC000  }
.Ltmp2:
0x5d: {  	[bflag:$0x0] =	sbarrier.arrive $0xFFFF;
	(pc) =	sbr.rel @p0 .LBB2_1-.Ltmp2, $4  }
0x5e: {  	[hbm:s9], [sflag:s6] =	dma.local [spmem:s11], $0x2780  }
0x5f: {  	_ =	swait.ge [sflag:s12], $0x2780  }
0x60: {  	[sflag:s12] =	ssyncset.done $0x0  }
0x61: {  	[sflag:s12] =	ssyncadd.s32 $0xFFFFD880  }
0x62: {  	_ =	sfence.sel $0x180000  }
0x63: {  	[bflag:$0x0] =	sbarrier.arrive $0xFFFF  }
0x64: {  	p0 =	sne.s32 s0, $0x0;
	_ =	strace $0x90000047  }
0x65: {  	s0 =	sadd.s32 @!p0 $0x100000, s1;
	[bflag:$0x2] =	sbarrier.arrive $0xFFFF  }
0x66: {  	[sflag:s0] =	ssyncadd.tile.s32 @!p0 $0x1;
	_ =	shalt  }
.Lfunc_end2:
_tile_overlayer_lowered:
.L_overlay_start_2:
0x67: {  	(tag) =	ssettag $0x2  }
0x68: {  	s0 =	rddreg [dreg:$0x0];
	s2 =	stileid.u32  }
0x69: {  	s1 =	rddreg [dreg:$0x1];
	p0 =	sne.s32 s2, $0x0  }
0x6a: {  	s3 =	rddreg [dreg:$0x2];
	[bflag:$0x3] =	sbarrier.arrive $0xFFFF;
	s2 =	simm.s32 @!p0 $0x1C03  }
0x6b: {  	[timem:s3], [sflag:s2] =	dma.local @!p0 [hbm:s0], s1  }
0x6c: {  	s0 =	simm.s32 @!p0 $0x3  }
0x6d: {  	_ =	swait.ge @!p0 [sflag:s0], s1  }
0x6e: {  	s1 =	ssub.s32 @!p0 $0x0, s1;
	[sflag:s0] =	ssyncset.done @!p0 $0x0  }
0x6f: {  	[sflag:s0] =	ssyncadd.s32 @!p0 s1  }
0x70: {  	[bflag:$0x3] =	sbarrier.arrive $0xFFFF  }
0x71: {  	_ =	shalt  }

</sc_bundles>
